<compile_context>
chip_gen: v7x
topology: tpu7x:2x2x1
jax: 0.10.2.dev20260603
libtpu: 0.0.44.dev20260713+nightly
codegen_flags: <defaults>
</compile_context>

<pallas_src>
import functools

import jax
import jax.numpy as jnp
from jax import lax
from jax.experimental import pallas as pl
from jax.experimental.pallas import tpu as pltpu
from jax.experimental.pallas import tpu_sc as plsc


def kernel(tokens, W_pos):
    batch, seq_len = tokens.shape
    d_model = W_pos.shape[1]

    info = plsc.get_sparse_core_info()
    num_cores, num_subcores = info.num_cores, info.num_subcores
    num_workers = num_cores * num_subcores

    rows_per_worker = seq_len // num_workers
    chunk = 16
    num_chunks = rows_per_worker // chunk
    nbuf = 2

    mesh = plsc.VectorSubcoreMesh(core_axis_name="c", subcore_axis_name="s")

    @functools.partial(
        pl.kernel,
        mesh=mesh,
        out_type=jax.ShapeDtypeStruct((batch * seq_len, d_model), jnp.float32),
        scratch_types=[
            pltpu.VMEM((nbuf, chunk, d_model), jnp.float32),
            pltpu.SemaphoreType.DMA,
            pltpu.SemaphoreType.DMA,
        ],
    )
    def broadcast_rows(w_hbm, out_hbm, bufs, sem_in, sem_out):
        wid = lax.axis_index("s") * num_cores + lax.axis_index("c")
        base = wid * rows_per_worker

        def in_copy(i):
            off = base + i * chunk
            return pltpu.async_copy(
                w_hbm.at[pl.ds(off, chunk)], bufs.at[i % nbuf], sem_in
            )

        def out_copies(i):
            off = base + i * chunk
            return [
                pltpu.async_copy(
                    bufs.at[i % nbuf],
                    out_hbm.at[pl.ds(b * seq_len + off, chunk)],
                    sem_out,
                )
                for b in range(batch)
            ]

        pending_out = {}
        cp_in = in_copy(0)
        for i in range(num_chunks):
            cp_in.wait()
            pending_out[i] = out_copies(i)
            if i + 1 < num_chunks:
                if i - 1 >= 0:
                    for c in pending_out.pop(i - 1):
                        c.wait()
                cp_in = in_copy(i + 1)
        for cps in pending_out.values():
            for c in cps:
                c.wait()

    out = broadcast_rows(W_pos)
    return out.reshape(batch, seq_len, d_model)

# --- scband reference (transcript-rebuilt; emitter-appended) ---
"""Pipeline reference for scband-pos-embed-12481174962244 (READ-ONLY COPY).

The authoritative reference and input builder live on the scoring server;
editing this copy changes nothing except your own understanding.
"""

import jax, jax.numpy as jnp
import numpy as np

N_CTX = 8192
D_MODEL = 2048

def setup_inputs(seed: int = 0) -> dict:
    key = jax.random.key(seed)
    k1, k2 = jax.random.split(key)
    tokens = jax.random.randint(k1, (4, 4096), 0, 50257, dtype=jnp.int64) if jax.config.jax_enable_x64 else jax.random.randint(k1, (4, 4096), 0, 50257, dtype=jnp.int32)
    W_pos = 0.01 * jax.random.normal(k2, (N_CTX, D_MODEL), dtype=jnp.float32)
    return {"tokens": tokens, "W_pos": W_pos}

def reference(tokens, W_pos):
    batch, seq_len = tokens.shape
    # einops.repeat(W_pos[:seq_len], 'seq d -> batch seq d', batch=batch)
    pos = W_pos[:seq_len]
    out = jnp.broadcast_to(pos[None, :, :], (batch, seq_len, pos.shape[1]))
    return out

if __name__ == "__main__":
    import jax
    _d = setup_inputs()
    print(jax.jit(kernel)(*tuple(_d.values())))

</pallas_src>

<mosaic_0001>
#map = affine_map<(d0, d1) -> (0, 0)>
module attributes {stable_mosaic.version = 14 : i64} {
  func.func @broadcast_rows(%arg0: i32, %arg1: i32, %arg2: memref<8192x2048xf32, #tpu.memory_space<hbm>>, %arg3: memref<16384x2048xf32, #tpu.memory_space<hbm>>, %arg4: memref<2x16x2048xf32, #tpu.memory_space<vmem>>, %arg5: memref<!tpu.dma_semaphore, #tpu.memory_space<semaphore_mem>>, %arg6: memref<!tpu.dma_semaphore, #tpu.memory_space<semaphore_mem>>) attributes {dimension_semantics = [#tpu.dimension_semantics<core_parallel>, #tpu.dimension_semantics<subcore_parallel>], iteration_bounds = array<i64: 2, 16>, scalar_prefetch = 0 : i64, scratch_operands = 3 : i64, tpu.core_type = #tpu.core_type<sc_vector_subcore>, window_params = [{transform_indices = #map}, {transform_indices = #map}]} {
    %mul3A = arith.constant 2 : i32
    %mul3A_0 = arith.muli %arg1, %mul3A : i32
    %add3A = arith.addi %mul3A_0, %arg0 : i32
    %mul3A_1 = arith.constant 128 : i32
    %mul3A_2 = arith.muli %add3A, %mul3A_1 : i32
    %add3A_3 = arith.constant 0 : i32
    %add3A_4 = arith.addi %mul3A_2, %add3A_3 : i32
    %dma_start3A = arith.constant 0 : i32
    %dma_start3A_5 = arith.constant 0 : i32
    %dma_start3A_6 = arith.constant 0 : i32
    %dma_start3A_7 = tpu.memref_slice %arg4[%dma_start3A, %dma_start3A_5, %dma_start3A_6] : memref<2x16x2048xf32, #tpu.memory_space<vmem>> -> memref<1x16x2048xf32, #tpu.memory_space<vmem>>
    %dma_start3A_8 = tpu.memref_squeeze %dma_start3A_7 : memref<1x16x2048xf32, #tpu.memory_space<vmem>> -> memref<16x2048xf32, #tpu.memory_space<vmem>>
    %dma_start3A_9 = arith.constant 0 : i32
    %dma_start3A_10 = tpu.memref_slice %arg2[%add3A_4, %dma_start3A_9] : memref<8192x2048xf32, #tpu.memory_space<hbm>> -> memref<16x2048xf32, #tpu.memory_space<hbm>>
    %dma_start3A_11 = arith.constant 0 : i32
    %dma_start3A_12 = arith.constant 0 : i32
    %dma_start3A_13 = tpu.memref_slice %arg4[%dma_start3A, %dma_start3A_11, %dma_start3A_12] : memref<2x16x2048xf32, #tpu.memory_space<vmem>> -> memref<1x16x2048xf32, #tpu.memory_space<vmem>>
    %dma_start3A_14 = tpu.memref_squeeze %dma_start3A_13 : memref<1x16x2048xf32, #tpu.memory_space<vmem>> -> memref<16x2048xf32, #tpu.memory_space<vmem>>
    %dma_start3A_15 = arith.constant 0 : i32
    %dma_start3A_16 = tpu.memref_slice %arg2[%add3A_4, %dma_start3A_15] : memref<8192x2048xf32, #tpu.memory_space<hbm>> -> memref<16x2048xf32, #tpu.memory_space<hbm>>
    tpu.enqueue_dma source(%dma_start3A_16 : memref<16x2048xf32, #tpu.memory_space<hbm>>) target(%dma_start3A_14 : memref<16x2048xf32, #tpu.memory_space<vmem>>) target_semaphore(%arg5 : memref<!tpu.dma_semaphore, #tpu.memory_space<semaphore_mem>>)
    %dma_wait3A = arith.constant 0 : i32
    %dma_wait3A_17 = arith.constant 0 : i32
    %dma_wait3A_18 = arith.constant 0 : i32
    %dma_wait3A_19 = tpu.memref_slice %arg4[%dma_wait3A, %dma_wait3A_17, %dma_wait3A_18] : memref<2x16x2048xf32, #tpu.memory_space<vmem>> -> memref<1x16x2048xf32, #tpu.memory_space<vmem>>
    %dma_wait3A_20 = tpu.memref_squeeze %dma_wait3A_19 : memref<1x16x2048xf32, #tpu.memory_space<vmem>> -> memref<16x2048xf32, #tpu.memory_space<vmem>>
    %dma_wait3A_21 = arith.constant 0 : i32
    %dma_wait3A_22 = tpu.memref_slice %arg2[%add3A_4, %dma_wait3A_21] : memref<8192x2048xf32, #tpu.memory_space<hbm>> -> memref<16x2048xf32, #tpu.memory_space<hbm>>
    %dma_wait3A_23 = arith.constant 0 : i32
    %dma_wait3A_24 = arith.constant 0 : i32
    %dma_wait3A_25 = tpu.memref_slice %arg4[%dma_wait3A, %dma_wait3A_23, %dma_wait3A_24] : memref<2x16x2048xf32, #tpu.memory_space<vmem>> -> memref<1x16x2048xf32, #tpu.memory_space<vmem>>
    %dma_wait3A_26 = tpu.memref_squeeze %dma_wait3A_25 : memref<1x16x2048xf32, #tpu.memory_space<vmem>> -> memref<16x2048xf32, #tpu.memory_space<vmem>>
    %dma_wait3A_27 = arith.constant 0 : i32
    %dma_wait3A_28 = tpu.memref_slice %arg2[%add3A_4, %dma_wait3A_27] : memref<8192x2048xf32, #tpu.memory_space<hbm>> -> memref<16x2048xf32, #tpu.memory_space<hbm>>
    tpu.wait_dma2 semaphore(%arg5 : memref<!tpu.dma_semaphore, #tpu.memory_space<semaphore_mem>>) src(%dma_wait3A_28 : memref<16x2048xf32, #tpu.memory_space<hbm>>) dst(%dma_wait3A_26 : memref<16x2048xf32, #tpu.memory_space<vmem>>)
    %add3A_29 = arith.constant 0 : i32
    %add3A_30 = arith.addi %mul3A_2, %add3A_29 : i32
    %add3A_31 = arith.constant 0 : i32
    %add3A_32 = arith.addi %add3A_31, %add3A_30 : i32
    %dma_start3A_33 = arith.constant 0 : i32
    %dma_start3A_34 = arith.constant 0 : i32
    %dma_start3A_35 = arith.constant 0 : i32
    %dma_start3A_36 = tpu.memref_slice %arg4[%dma_start3A_33, %dma_start3A_34, %dma_start3A_35] : memref<2x16x2048xf32, #tpu.memory_space<vmem>> -> memref<1x16x2048xf32, #tpu.memory_space<vmem>>
    %dma_start3A_37 = tpu.memref_squeeze %dma_start3A_36 : memref<1x16x2048xf32, #tpu.memory_space<vmem>> -> memref<16x2048xf32, #tpu.memory_space<vmem>>
    %dma_start3A_38 = arith.constant 0 : i32
    %dma_start3A_39 = tpu.memref_slice %arg3[%add3A_32, %dma_start3A_38] : memref<16384x2048xf32, #tpu.memory_space<hbm>> -> memref<16x2048xf32, #tpu.memory_space<hbm>>
    %dma_start3A_40 = arith.constant 0 : i32
    %dma_start3A_41 = tpu.memref_slice %arg3[%add3A_32, %dma_start3A_40] : memref<16384x2048xf32, #tpu.memory_space<hbm>> -> memref<16x2048xf32, #tpu.memory_space<hbm>>
    %dma_start3A_42 = arith.constant 0 : i32
    %dma_start3A_43 = arith.constant 0 : i32
    %dma_start3A_44 = tpu.memref_slice %arg4[%dma_start3A_33, %dma_start3A_42, %dma_start3A_43] : memref<2x16x2048xf32, #tpu.memory_space<vmem>> -> memref<1x16x2048xf32, #tpu.memory_space<vmem>>
    %dma_start3A_45 = tpu.memref_squeeze %dma_start3A_44 : memref<1x16x2048xf32, #tpu.memory_space<vmem>> -> memref<16x2048xf32, #tpu.memory_space<vmem>>
    tpu.enqueue_dma source(%dma_start3A_45 : memref<16x2048xf32, #tpu.memory_space<vmem>>) target(%dma_start3A_41 : memref<16x2048xf32, #tpu.memory_space<hbm>>) target_semaphore(%arg6 : memref<!tpu.dma_semaphore, #tpu.memory_space<semaphore_mem>>)
    %add3A_46 = arith.constant 4096 : i32
    %add3A_47 = arith.addi %add3A_46, %add3A_30 : i32
    %dma_start3A_48 = arith.constant 0 : i32
    %dma_start3A_49 = arith.constant 0 : i32
    %dma_start3A_50 = arith.constant 0 : i32
    %dma_start3A_51 = tpu.memref_slice %arg4[%dma_start3A_48, %dma_start3A_49, %dma_start3A_50] : memref<2x16x2048xf32, #tpu.memory_space<vmem>> -> memref<1x16x2048xf32, #tpu.memory_space<vmem>>
    %dma_start3A_52 = tpu.memref_squeeze %dma_start3A_51 : memref<1x16x2048xf32, #tpu.memory_space<vmem>> -> memref<16x2048xf32, #tpu.memory_space<vmem>>
    %dma_start3A_53 = arith.constant 0 : i32
    %dma_start3A_54 = tpu.memref_slice %arg3[%add3A_47, %dma_start3A_53] : memref<16384x2048xf32, #tpu.memory_space<hbm>> -> memref<16x2048xf32, #tpu.memory_space<hbm>>
    %dma_start3A_55 = arith.constant 0 : i32
    %dma_start3A_56 = tpu.memref_slice %arg3[%add3A_47, %dma_start3A_55] : memref<16384x2048xf32, #tpu.memory_space<hbm>> -> memref<16x2048xf32, #tpu.memory_space<hbm>>
    %dma_start3A_57 = arith.constant 0 : i32
    %dma_start3A_58 = arith.constant 0 : i32
    %dma_start3A_59 = tpu.memref_slice %arg4[%dma_start3A_48, %dma_start3A_57, %dma_start3A_58] : memref<2x16x2048xf32, #tpu.memory_space<vmem>> -> memref<1x16x2048xf32, #tpu.memory_space<vmem>>
    %dma_start3A_60 = tpu.memref_squeeze %dma_start3A_59 : memref<1x16x2048xf32, #tpu.memory_space<vmem>> -> memref<16x2048xf32, #tpu.memory_space<vmem>>
    tpu.enqueue_dma source(%dma_start3A_60 : memref<16x2048xf32, #tpu.memory_space<vmem>>) target(%dma_start3A_56 : memref<16x2048xf32, #tpu.memory_space<hbm>>) target_semaphore(%arg6 : memref<!tpu.dma_semaphore, #tpu.memory_space<semaphore_mem>>)
    %add3A_61 = arith.constant 8192 : i32
    %add3A_62 = arith.addi %add3A_61, %add3A_30 : i32
    %dma_start3A_63 = arith.constant 0 : i32
    %dma_start3A_64 = arith.constant 0 : i32
    %dma_start3A_65 = arith.constant 0 : i32
    %dma_start3A_66 = tpu.memref_slice %arg4[%dma_start3A_63, %dma_start3A_64, %dma_start3A_65] : memref<2x16x2048xf32, #tpu.memory_space<vmem>> -> memref<1x16x2048xf32, #tpu.memory_space<vmem>>
    %dma_start3A_67 = tpu.memref_squeeze %dma_start3A_66 : memref<1x16x2048xf32, #tpu.memory_space<vmem>> -> memref<16x2048xf32, #tpu.memory_space<vmem>>
    %dma_start3A_68 = arith.constant 0 : i32
    %dma_start3A_69 = tpu.memref_slice %arg3[%add3A_62, %dma_start3A_68] : memref<16384x2048xf32, #tpu.memory_space<hbm>> -> memref<16x2048xf32, #tpu.memory_space<hbm>>
    %dma_start3A_70 = arith.constant 0 : i32
    %dma_start3A_71 = tpu.memref_slice %arg3[%add3A_62, %dma_start3A_70] : memref<16384x2048xf32, #tpu.memory_space<hbm>> -> memref<16x2048xf32, #tpu.memory_space<hbm>>
    %dma_start3A_72 = arith.constant 0 : i32
    %dma_start3A_73 = arith.constant 0 : i32
    %dma_start3A_74 = tpu.memref_slice %arg4[%dma_start3A_63, %dma_start3A_72, %dma_start3A_73] : memref<2x16x2048xf32, #tpu.memory_space<vmem>> -> memref<1x16x2048xf32, #tpu.memory_space<vmem>>
    %dma_start3A_75 = tpu.memref_squeeze %dma_start3A_74 : memref<1x16x2048xf32, #tpu.memory_space<vmem>> -> memref<16x2048xf32, #tpu.memory_space<vmem>>
    tpu.enqueue_dma source(%dma_start3A_75 : memref<16x2048xf32, #tpu.memory_space<vmem>>) target(%dma_start3A_71 : memref<16x2048xf32, #tpu.memory_space<hbm>>) target_semaphore(%arg6 : memref<!tpu.dma_semaphore, #tpu.memory_space<semaphore_mem>>)
    %add3A_76 = arith.constant 12288 : i32
    %add3A_77 = arith.addi %add3A_76, %add3A_30 : i32
    %dma_start3A_78 = arith.constant 0 : i32
    %dma_start3A_79 = arith.constant 0 : i32
    %dma_start3A_80 = arith.constant 0 : i32
    %dma_start3A_81 = tpu.memref_slice %arg4[%dma_start3A_78, %dma_start3A_79, %dma_start3A_80] : memref<2x16x2048xf32, #tpu.memory_space<vmem>> -> memref<1x16x2048xf32, #tpu.memory_space<vmem>>
    %dma_start3A_82 = tpu.memref_squeeze %dma_start3A_81 : memref<1x16x2048xf32, #tpu.memory_space<vmem>> -> memref<16x2048xf32, #tpu.memory_space<vmem>>
    %dma_start3A_83 = arith.constant 0 : i32
    %dma_start3A_84 = tpu.memref_slice %arg3[%add3A_77, %dma_start3A_83] : memref<16384x2048xf32, #tpu.memory_space<hbm>> -> memref<16x2048xf32, #tpu.memory_space<hbm>>
    %dma_start3A_85 = arith.constant 0 : i32
    %dma_start3A_86 = tpu.memref_slice %arg3[%add3A_77, %dma_start3A_85] : memref<16384x2048xf32, #tpu.memory_space<hbm>> -> memref<16x2048xf32, #tpu.memory_space<hbm>>
    %dma_start3A_87 = arith.constant 0 : i32
    %dma_start3A_88 = arith.constant 0 : i32
    %dma_start3A_89 = tpu.memref_slice %arg4[%dma_start3A_78, %dma_start3A_87, %dma_start3A_88] : memref<2x16x2048xf32, #tpu.memory_space<vmem>> -> memref<1x16x2048xf32, #tpu.memory_space<vmem>>
    %dma_start3A_90 = tpu.memref_squeeze %dma_start3A_89 : memref<1x16x2048xf32, #tpu.memory_space<vmem>> -> memref<16x2048xf32, #tpu.memory_space<vmem>>
    tpu.enqueue_dma source(%dma_start3A_90 : memref<16x2048xf32, #tpu.memory_space<vmem>>) target(%dma_start3A_86 : memref<16x2048xf32, #tpu.memory_space<hbm>>) target_semaphore(%arg6 : memref<!tpu.dma_semaphore, #tpu.memory_space<semaphore_mem>>)
    %add3A_91 = arith.constant 16 : i32
    %add3A_92 = arith.addi %mul3A_2, %add3A_91 : i32
    %dma_start3A_93 = arith.constant 1 : i32
    %dma_start3A_94 = arith.constant 0 : i32
    %dma_start3A_95 = arith.constant 0 : i32
    %dma_start3A_96 = tpu.memref_slice %arg4[%dma_start3A_93, %dma_start3A_94, %dma_start3A_95] : memref<2x16x2048xf32, #tpu.memory_space<vmem>> -> memref<1x16x2048xf32, #tpu.memory_space<vmem>>
    %dma_start3A_97 = tpu.memref_squeeze %dma_start3A_96 : memref<1x16x2048xf32, #tpu.memory_space<vmem>> -> memref<16x2048xf32, #tpu.memory_space<vmem>>
    %dma_start3A_98 = arith.constant 0 : i32
    %dma_start3A_99 = tpu.memref_slice %arg2[%add3A_92, %dma_start3A_98] : memref<8192x2048xf32, #tpu.memory_space<hbm>> -> memref<16x2048xf32, #tpu.memory_space<hbm>>
    %dma_start3A_100 = arith.constant 0 : i32
    %dma_start3A_101 = arith.constant 0 : i32
    %dma_start3A_102 = tpu.memref_slice %arg4[%dma_start3A_93, %dma_start3A_100, %dma_start3A_101] : memref<2x16x2048xf32, #tpu.memory_space<vmem>> -> memref<1x16x2048xf32, #tpu.memory_space<vmem>>
    %dma_start3A_103 = tpu.memref_squeeze %dma_start3A_102 : memref<1x16x2048xf32, #tpu.memory_space<vmem>> -> memref<16x2048xf32, #tpu.memory_space<vmem>>
    %dma_start3A_104 = arith.constant 0 : i32
    %dma_start3A_105 = tpu.memref_slice %arg2[%add3A_92, %dma_start3A_104] : memref<8192x2048xf32, #tpu.memory_space<hbm>> -> memref<16x2048xf32, #tpu.memory_space<hbm>>
    tpu.enqueue_dma source(%dma_start3A_105 : memref<16x2048xf32, #tpu.memory_space<hbm>>) target(%dma_start3A_103 : memref<16x2048xf32, #tpu.memory_space<vmem>>) target_semaphore(%arg5 : memref<!tpu.dma_semaphore, #tpu.memory_space<semaphore_mem>>)
    %dma_wait3A_106 = arith.constant 1 : i32
    %dma_wait3A_107 = arith.constant 0 : i32
    %dma_wait3A_108 = arith.constant 0 : i32
    %dma_wait3A_109 = tpu.memref_slice %arg4[%dma_wait3A_106, %dma_wait3A_107, %dma_wait3A_108] : memref<2x16x2048xf32, #tpu.memory_space<vmem>> -> memref<1x16x2048xf32, #tpu.memory_space<vmem>>
    %dma_wait3A_110 = tpu.memref_squeeze %dma_wait3A_109 : memref<1x16x2048xf32, #tpu.memory_space<vmem>> -> memref<16x2048xf32, #tpu.memory_space<vmem>>
    %dma_wait3A_111 = arith.constant 0 : i32
    %dma_wait3A_112 = tpu.memref_slice %arg2[%add3A_92, %dma_wait3A_111] : memref<8192x2048xf32, #tpu.memory_space<hbm>> -> memref<16x2048xf32, #tpu.memory_space<hbm>>
    %dma_wait3A_113 = arith.constant 0 : i32
    %dma_wait3A_114 = arith.constant 0 : i32
    %dma_wait3A_115 = tpu.memref_slice %arg4[%dma_wait3A_106, %dma_wait3A_113, %dma_wait3A_114] : memref<2x16x2048xf32, #tpu.memory_space<vmem>> -> memref<1x16x2048xf32, #tpu.memory_space<vmem>>
    %dma_wait3A_116 = tpu.memref_squeeze %dma_wait3A_115 : memref<1x16x2048xf32, #tpu.memory_space<vmem>> -> memref<16x2048xf32, #tpu.memory_space<vmem>>
    %dma_wait3A_117 = arith.constant 0 : i32
    %dma_wait3A_118 = tpu.memref_slice %arg2[%add3A_92, %dma_wait3A_117] : memref<8192x2048xf32, #tpu.memory_space<hbm>> -> memref<16x2048xf32, #tpu.memory_space<hbm>>
    tpu.wait_dma2 semaphore(%arg5 : memref<!tpu.dma_semaphore, #tpu.memory_space<semaphore_mem>>) src(%dma_wait3A_118 : memref<16x2048xf32, #tpu.memory_space<hbm>>) dst(%dma_wait3A_116 : memref<16x2048xf32, #tpu.memory_space<vmem>>)
    %add3A_119 = arith.constant 16 : i32
    %add3A_120 = arith.addi %mul3A_2, %add3A_119 : i32
    %add3A_121 = arith.constant 0 : i32
    %add3A_122 = arith.addi %add3A_121, %add3A_120 : i32
    %dma_start3A_123 = arith.constant 1 : i32
    %dma_start3A_124 = arith.constant 0 : i32
    %dma_start3A_125 = arith.constant 0 : i32
    %dma_start3A_126 = tpu.memref_slice %arg4[%dma_start3A_123, %dma_start3A_124, %dma_start3A_125] : memref<2x16x2048xf32, #tpu.memory_space<vmem>> -> memref<1x16x2048xf32, #tpu.memory_space<vmem>>
    %dma_start3A_127 = tpu.memref_squeeze %dma_start3A_126 : memref<1x16x2048xf32, #tpu.memory_space<vmem>> -> memref<16x2048xf32, #tpu.memory_space<vmem>>
    %dma_start3A_128 = arith.constant 0 : i32
    %dma_start3A_129 = tpu.memref_slice %arg3[%add3A_122, %dma_start3A_128] : memref<16384x2048xf32, #tpu.memory_space<hbm>> -> memref<16x2048xf32, #tpu.memory_space<hbm>>
    %dma_start3A_130 = arith.constant 0 : i32
    %dma_start3A_131 = tpu.memref_slice %arg3[%add3A_122, %dma_start3A_130] : memref<16384x2048xf32, #tpu.memory_space<hbm>> -> memref<16x2048xf32, #tpu.memory_space<hbm>>
    %dma_start3A_132 = arith.constant 0 : i32
    %dma_start3A_133 = arith.constant 0 : i32
    %dma_start3A_134 = tpu.memref_slice %arg4[%dma_start3A_123, %dma_start3A_132, %dma_start3A_133] : memref<2x16x2048xf32, #tpu.memory_space<vmem>> -> memref<1x16x2048xf32, #tpu.memory_space<vmem>>
    %dma_start3A_135 = tpu.memref_squeeze %dma_start3A_134 : memref<1x16x2048xf32, #tpu.memory_space<vmem>> -> memref<16x2048xf32, #tpu.memory_space<vmem>>
    tpu.enqueue_dma source(%dma_start3A_135 : memref<16x2048xf32, #tpu.memory_space<vmem>>) target(%dma_start3A_131 : memref<16x2048xf32, #tpu.memory_space<hbm>>) target_semaphore(%arg6 : memref<!tpu.dma_semaphore, #tpu.memory_space<semaphore_mem>>)
    %add3A_136 = arith.constant 4096 : i32
    %add3A_137 = arith.addi %add3A_136, %add3A_120 : i32
    %dma_start3A_138 = arith.constant 1 : i32
    %dma_start3A_139 = arith.constant 0 : i32
    %dma_start3A_140 = arith.constant 0 : i32
    %dma_start3A_141 = tpu.memref_slice %arg4[%dma_start3A_138, %dma_start3A_139, %dma_start3A_140] : memref<2x16x2048xf32, #tpu.memory_space<vmem>> -> memref<1x16x2048xf32, #tpu.memory_space<vmem>>
    %dma_start3A_142 = tpu.memref_squeeze %dma_start3A_141 : memref<1x16x2048xf32, #tpu.memory_space<vmem>> -> memref<16x2048xf32, #tpu.memory_space<vmem>>
    %dma_start3A_143 = arith.constant 0 : i32
    %dma_start3A_144 = tpu.memref_slice %arg3[%add3A_137, %dma_start3A_143] : memref<16384x2048xf32, #tpu.memory_space<hbm>> -> memref<16x2048xf32, #tpu.memory_space<hbm>>
    %dma_start3A_145 = arith.constant 0 : i32
    %dma_start3A_146 = tpu.memref_slice %arg3[%add3A_137, %dma_start3A_145] : memref<16384x2048xf32, #tpu.memory_space<hbm>> -> memref<16x2048xf32, #tpu.memory_space<hbm>>
    %dma_start3A_147 = arith.constant 0 : i32
    %dma_start3A_148 = arith.constant 0 : i32
    %dma_start3A_149 = tpu.memref_slice %arg4[%dma_start3A_138, %dma_start3A_147, %dma_start3A_148] : memref<2x16x2048xf32, #tpu.memory_space<vmem>> -> memref<1x16x2048xf32, #tpu.memory_space<vmem>>
    %dma_start3A_150 = tpu.memref_squeeze %dma_start3A_149 : memref<1x16x2048xf32, #tpu.memory_space<vmem>> -> memref<16x2048xf32, #tpu.memory_space<vmem>>
    tpu.enqueue_dma source(%dma_start3A_150 : memref<16x2048xf32, #tpu.memory_space<vmem>>) target(%dma_start3A_146 : memref<16x2048xf32, #tpu.memory_space<hbm>>) target_semaphore(%arg6 : memref<!tpu.dma_semaphore, #tpu.memory_space<semaphore_mem>>)
    %add3A_151 = arith.constant 8192 : i32
    %add3A_152 = arith.addi %add3A_151, %add3A_120 : i32
    %dma_start3A_153 = arith.constant 1 : i32
    %dma_start3A_154 = arith.constant 0 : i32
    %dma_start3A_155 = arith.constant 0 : i32
    %dma_start3A_156 = tpu.memref_slice %arg4[%dma_start3A_153, %dma_start3A_154, %dma_start3A_155] : memref<2x16x2048xf32, #tpu.memory_space<vmem>> -> memref<1x16x2048xf32, #tpu.memory_space<vmem>>
    %dma_start3A_157 = tpu.memref_squeeze %dma_start3A_156 : memref<1x16x2048xf32, #tpu.memory_space<vmem>> -> memref<16x2048xf32, #tpu.memory_space<vmem>>
    %dma_start3A_158 = arith.constant 0 : i32
    %dma_start3A_159 = tpu.memref_slice %arg3[%add3A_152, %dma_start3A_158] : memref<16384x2048xf32, #tpu.memory_space<hbm>> -> memref<16x2048xf32, #tpu.memory_space<hbm>>
    %dma_start3A_160 = arith.constant 0 : i32
    %dma_start3A_161 = tpu.memref_slice %arg3[%add3A_152, %dma_start3A_160] : memref<16384x2048xf32, #tpu.memory_space<hbm>> -> memref<16x2048xf32, #tpu.memory_space<hbm>>
    %dma_start3A_162 = arith.constant 0 : i32
    %dma_start3A_163 = arith.constant 0 : i32
    %dma_start3A_164 = tpu.memref_slice %arg4[%dma_start3A_153, %dma_start3A_162, %dma_start3A_163] : memref<2x16x2048xf32, #tpu.memory_space<vmem>> -> memref<1x16x2048xf32, #tpu.memory_space<vmem>>
    %dma_start3A_165 = tpu.memref_squeeze %dma_start3A_164 : memref<1x16x2048xf32, #tpu.memory_space<vmem>> -> memref<16x2048xf32, #tpu.memory_space<vmem>>
    tpu.enqueue_dma source(%dma_start3A_165 : memref<16x2048xf32, #tpu.memory_space<vmem>>) target(%dma_start3A_161 : memref<16x2048xf32, #tpu.memory_space<hbm>>) target_semaphore(%arg6 : memref<!tpu.dma_semaphore, #tpu.memory_space<semaphore_mem>>)
    %add3A_166 = arith.constant 12288 : i32
    %add3A_167 = arith.addi %add3A_166, %add3A_120 : i32
    %dma_start3A_168 = arith.constant 1 : i32
    %dma_start3A_169 = arith.constant 0 : i32
    %dma_start3A_170 = arith.constant 0 : i32
    %dma_start3A_171 = tpu.memref_slice %arg4[%dma_start3A_168, %dma_start3A_169, %dma_start3A_170] : memref<2x16x2048xf32, #tpu.memory_space<vmem>> -> memref<1x16x2048xf32, #tpu.memory_space<vmem>>
    %dma_start3A_172 = tpu.memref_squeeze %dma_start3A_171 : memref<1x16x2048xf32, #tpu.memory_space<vmem>> -> memref<16x2048xf32, #tpu.memory_space<vmem>>
    %dma_start3A_173 = arith.constant 0 : i32
    %dma_start3A_174 = tpu.memref_slice %arg3[%add3A_167, %dma_start3A_173] : memref<16384x2048xf32, #tpu.memory_space<hbm>> -> memref<16x2048xf32, #tpu.memory_space<hbm>>
    %dma_start3A_175 = arith.constant 0 : i32
    %dma_start3A_176 = tpu.memref_slice %arg3[%add3A_167, %dma_start3A_175] : memref<16384x2048xf32, #tpu.memory_space<hbm>> -> memref<16x2048xf32, #tpu.memory_space<hbm>>
    %dma_start3A_177 = arith.constant 0 : i32
    %dma_start3A_178 = arith.constant 0 : i32
    %dma_start3A_179 = tpu.memref_slice %arg4[%dma_start3A_168, %dma_start3A_177, %dma_start3A_178] : memref<2x16x2048xf32, #tpu.memory_space<vmem>> -> memref<1x16x2048xf32, #tpu.memory_space<vmem>>
    %dma_start3A_180 = tpu.memref_squeeze %dma_start3A_179 : memref<1x16x2048xf32, #tpu.memory_space<vmem>> -> memref<16x2048xf32, #tpu.memory_space<vmem>>
    tpu.enqueue_dma source(%dma_start3A_180 : memref<16x2048xf32, #tpu.memory_space<vmem>>) target(%dma_start3A_176 : memref<16x2048xf32, #tpu.memory_space<hbm>>) target_semaphore(%arg6 : memref<!tpu.dma_semaphore, #tpu.memory_space<semaphore_mem>>)
    %dma_wait3A_181 = arith.constant 0 : i32
    %dma_wait3A_182 = arith.constant 0 : i32
    %dma_wait3A_183 = arith.constant 0 : i32
    %dma_wait3A_184 = tpu.memref_slice %arg4[%dma_wait3A_181, %dma_wait3A_182, %dma_wait3A_183] : memref<2x16x2048xf32, #tpu.memory_space<vmem>> -> memref<1x16x2048xf32, #tpu.memory_space<vmem>>
    %dma_wait3A_185 = tpu.memref_squeeze %dma_wait3A_184 : memref<1x16x2048xf32, #tpu.memory_space<vmem>> -> memref<16x2048xf32, #tpu.memory_space<vmem>>
    %dma_wait3A_186 = arith.constant 0 : i32
    %dma_wait3A_187 = tpu.memref_slice %arg3[%add3A_32, %dma_wait3A_186] : memref<16384x2048xf32, #tpu.memory_space<hbm>> -> memref<16x2048xf32, #tpu.memory_space<hbm>>
    %dma_wait3A_188 = arith.constant 0 : i32
    %dma_wait3A_189 = tpu.memref_slice %arg3[%add3A_32, %dma_wait3A_188] : memref<16384x2048xf32, #tpu.memory_space<hbm>> -> memref<16x2048xf32, #tpu.memory_space<hbm>>
    %dma_wait3A_190 = arith.constant 0 : i32
    %dma_wait3A_191 = arith.constant 0 : i32
    %dma_wait3A_192 = tpu.memref_slice %arg4[%dma_wait3A_181, %dma_wait3A_190, %dma_wait3A_191] : memref<2x16x2048xf32, #tpu.memory_space<vmem>> -> memref<1x16x2048xf32, #tpu.memory_space<vmem>>
    %dma_wait3A_193 = tpu.memref_squeeze %dma_wait3A_192 : memref<1x16x2048xf32, #tpu.memory_space<vmem>> -> memref<16x2048xf32, #tpu.memory_space<vmem>>
    tpu.wait_dma2 semaphore(%arg6 : memref<!tpu.dma_semaphore, #tpu.memory_space<semaphore_mem>>) src(%dma_wait3A_193 : memref<16x2048xf32, #tpu.memory_space<vmem>>) dst(%dma_wait3A_189 : memref<16x2048xf32, #tpu.memory_space<hbm>>)
    %dma_wait3A_194 = arith.constant 0 : i32
    %dma_wait3A_195 = arith.constant 0 : i32
    %dma_wait3A_196 = arith.constant 0 : i32
    %dma_wait3A_197 = tpu.memref_slice %arg4[%dma_wait3A_194, %dma_wait3A_195, %dma_wait3A_196] : memref<2x16x2048xf32, #tpu.memory_space<vmem>> -> memref<1x16x2048xf32, #tpu.memory_space<vmem>>
    %dma_wait3A_198 = tpu.memref_squeeze %dma_wait3A_197 : memref<1x16x2048xf32, #tpu.memory_space<vmem>> -> memref<16x2048xf32, #tpu.memory_space<vmem>>
    %dma_wait3A_199 = arith.constant 0 : i32
    %dma_wait3A_200 = tpu.memref_slice %arg3[%add3A_47, %dma_wait3A_199] : memref<16384x2048xf32, #tpu.memory_space<hbm>> -> memref<16x2048xf32, #tpu.memory_space<hbm>>
    %dma_wait3A_201 = arith.constant 0 : i32
    %dma_wait3A_202 = tpu.memref_slice %arg3[%add3A_47, %dma_wait3A_201] : memref<16384x2048xf32, #tpu.memory_space<hbm>> -> memref<16x2048xf32, #tpu.memory_space<hbm>>
    %dma_wait3A_203 = arith.constant 0 : i32
    %dma_wait3A_204 = arith.constant 0 : i32
    %dma_wait3A_205 = tpu.memref_slice %arg4[%dma_wait3A_194, %dma_wait3A_203, %dma_wait3A_204] : memref<2x16x2048xf32, #tpu.memory_space<vmem>> -> memref<1x16x2048xf32, #tpu.memory_space<vmem>>
    %dma_wait3A_206 = tpu.memref_squeeze %dma_wait3A_205 : memref<1x16x2048xf32, #tpu.memory_space<vmem>> -> memref<16x2048xf32, #tpu.memory_space<vmem>>
    tpu.wait_dma2 semaphore(%arg6 : memref<!tpu.dma_semaphore, #tpu.memory_space<semaphore_mem>>) src(%dma_wait3A_206 : memref<16x2048xf32, #tpu.memory_space<vmem>>) dst(%dma_wait3A_202 : memref<16x2048xf32, #tpu.memory_space<hbm>>)
    %dma_wait3A_207 = arith.constant 0 : i32
    %dma_wait3A_208 = arith.constant 0 : i32
    %dma_wait3A_209 = arith.constant 0 : i32
    %dma_wait3A_210 = tpu.memref_slice %arg4[%dma_wait3A_207, %dma_wait3A_208, %dma_wait3A_209] : memref<2x16x2048xf32, #tpu.memory_space<vmem>> -> memref<1x16x2048xf32, #tpu.memory_space<vmem>>
    %dma_wait3A_211 = tpu.memref_squeeze %dma_wait3A_210 : memref<1x16x2048xf32, #tpu.memory_space<vmem>> -> memref<16x2048xf32, #tpu.memory_space<vmem>>
    %dma_wait3A_212 = arith.constant 0 : i32
    %dma_wait3A_213 = tpu.memref_slice %arg3[%add3A_62, %dma_wait3A_212] : memref<16384x2048xf32, #tpu.memory_space<hbm>> -> memref<16x2048xf32, #tpu.memory_space<hbm>>
    %dma_wait3A_214 = arith.constant 0 : i32
    %dma_wait3A_215 = tpu.memref_slice %arg3[%add3A_62, %dma_wait3A_214] : memref<16384x2048xf32, #tpu.memory_space<hbm>> -> memref<16x2048xf32, #tpu.memory_space<hbm>>
    %dma_wait3A_216 = arith.constant 0 : i32
    %dma_wait3A_217 = arith.constant 0 : i32
    %dma_wait3A_218 = tpu.memref_slice %arg4[%dma_wait3A_207, %dma_wait3A_216, %dma_wait3A_217] : memref<2x16x2048xf32, #tpu.memory_space<vmem>> -> memref<1x16x2048xf32, #tpu.memory_space<vmem>>
    %dma_wait3A_219 = tpu.memref_squeeze %dma_wait3A_218 : memref<1x16x2048xf32, #tpu.memory_space<vmem>> -> memref<16x2048xf32, #tpu.memory_space<vmem>>
    tpu.wait_dma2 semaphore(%arg6 : memref<!tpu.dma_semaphore, #tpu.memory_space<semaphore_mem>>) src(%dma_wait3A_219 : memref<16x2048xf32, #tpu.memory_space<vmem>>) dst(%dma_wait3A_215 : memref<16x2048xf32, #tpu.memory_space<hbm>>)
    %dma_wait3A_220 = arith.constant 0 : i32
    %dma_wait3A_221 = arith.constant 0 : i32
    %dma_wait3A_222 = arith.constant 0 : i32
    %dma_wait3A_223 = tpu.memref_slice %arg4[%dma_wait3A_220, %dma_wait3A_221, %dma_wait3A_222] : memref<2x16x2048xf32, #tpu.memory_space<vmem>> -> memref<1x16x2048xf32, #tpu.memory_space<vmem>>
    %dma_wait3A_224 = tpu.memref_squeeze %dma_wait3A_223 : memref<1x16x2048xf32, #tpu.memory_space<vmem>> -> memref<16x2048xf32, #tpu.memory_space<vmem>>
    %dma_wait3A_225 = arith.constant 0 : i32
    %dma_wait3A_226 = tpu.memref_slice %arg3[%add3A_77, %dma_wait3A_225] : memref<16384x2048xf32, #tpu.memory_space<hbm>> -> memref<16x2048xf32, #tpu.memory_space<hbm>>
    %dma_wait3A_227 = arith.constant 0 : i32
    %dma_wait3A_228 = tpu.memref_slice %arg3[%add3A_77, %dma_wait3A_227] : memref<16384x2048xf32, #tpu.memory_space<hbm>> -> memref<16x2048xf32, #tpu.memory_space<hbm>>
    %dma_wait3A_229 = arith.constant 0 : i32
    %dma_wait3A_230 = arith.constant 0 : i32
    %dma_wait3A_231 = tpu.memref_slice %arg4[%dma_wait3A_220, %dma_wait3A_229, %dma_wait3A_230] : memref<2x16x2048xf32, #tpu.memory_space<vmem>> -> memref<1x16x2048xf32, #tpu.memory_space<vmem>>
    %dma_wait3A_232 = tpu.memref_squeeze %dma_wait3A_231 : memref<1x16x2048xf32, #tpu.memory_space<vmem>> -> memref<16x2048xf32, #tpu.memory_space<vmem>>
    tpu.wait_dma2 semaphore(%arg6 : memref<!tpu.dma_semaphore, #tpu.memory_space<semaphore_mem>>) src(%dma_wait3A_232 : memref<16x2048xf32, #tpu.memory_space<vmem>>) dst(%dma_wait3A_228 : memref<16x2048xf32, #tpu.memory_space<hbm>>)
    %add3A_233 = arith.constant 32 : i32
    %add3A_234 = arith.addi %mul3A_2, %add3A_233 : i32
    %dma_start3A_235 = arith.constant 0 : i32
    %dma_start3A_236 = arith.constant 0 : i32
    %dma_start3A_237 = arith.constant 0 : i32
    %dma_start3A_238 = tpu.memref_slice %arg4[%dma_start3A_235, %dma_start3A_236, %dma_start3A_237] : memref<2x16x2048xf32, #tpu.memory_space<vmem>> -> memref<1x16x2048xf32, #tpu.memory_space<vmem>>
    %dma_start3A_239 = tpu.memref_squeeze %dma_start3A_238 : memref<1x16x2048xf32, #tpu.memory_space<vmem>> -> memref<16x2048xf32, #tpu.memory_space<vmem>>
    %dma_start3A_240 = arith.constant 0 : i32
    %dma_start3A_241 = tpu.memref_slice %arg2[%add3A_234, %dma_start3A_240] : memref<8192x2048xf32, #tpu.memory_space<hbm>> -> memref<16x2048xf32, #tpu.memory_space<hbm>>
    %dma_start3A_242 = arith.constant 0 : i32
    %dma_start3A_243 = arith.constant 0 : i32
    %dma_start3A_244 = tpu.memref_slice %arg4[%dma_start3A_235, %dma_start3A_242, %dma_start3A_243] : memref<2x16x2048xf32, #tpu.memory_space<vmem>> -> memref<1x16x2048xf32, #tpu.memory_space<vmem>>
    %dma_start3A_245 = tpu.memref_squeeze %dma_start3A_244 : memref<1x16x2048xf32, #tpu.memory_space<vmem>> -> memref<16x2048xf32, #tpu.memory_space<vmem>>
    %dma_start3A_246 = arith.constant 0 : i32
    %dma_start3A_247 = tpu.memref_slice %arg2[%add3A_234, %dma_start3A_246] : memref<8192x2048xf32, #tpu.memory_space<hbm>> -> memref<16x2048xf32, #tpu.memory_space<hbm>>
    tpu.enqueue_dma source(%dma_start3A_247 : memref<16x2048xf32, #tpu.memory_space<hbm>>) target(%dma_start3A_245 : memref<16x2048xf32, #tpu.memory_space<vmem>>) target_semaphore(%arg5 : memref<!tpu.dma_semaphore, #tpu.memory_space<semaphore_mem>>)
    %dma_wait3A_248 = arith.constant 0 : i32
    %dma_wait3A_249 = arith.constant 0 : i32
    %dma_wait3A_250 = arith.constant 0 : i32
    %dma_wait3A_251 = tpu.memref_slice %arg4[%dma_wait3A_248, %dma_wait3A_249, %dma_wait3A_250] : memref<2x16x2048xf32, #tpu.memory_space<vmem>> -> memref<1x16x2048xf32, #tpu.memory_space<vmem>>
    %dma_wait3A_252 = tpu.memref_squeeze %dma_wait3A_251 : memref<1x16x2048xf32, #tpu.memory_space<vmem>> -> memref<16x2048xf32, #tpu.memory_space<vmem>>
    %dma_wait3A_253 = arith.constant 0 : i32
    %dma_wait3A_254 = tpu.memref_slice %arg2[%add3A_234, %dma_wait3A_253] : memref<8192x2048xf32, #tpu.memory_space<hbm>> -> memref<16x2048xf32, #tpu.memory_space<hbm>>
    %dma_wait3A_255 = arith.constant 0 : i32
    %dma_wait3A_256 = arith.constant 0 : i32
    %dma_wait3A_257 = tpu.memref_slice %arg4[%dma_wait3A_248, %dma_wait3A_255, %dma_wait3A_256] : memref<2x16x2048xf32, #tpu.memory_space<vmem>> -> memref<1x16x2048xf32, #tpu.memory_space<vmem>>
    %dma_wait3A_258 = tpu.memref_squeeze %dma_wait3A_257 : memref<1x16x2048xf32, #tpu.memory_space<vmem>> -> memref<16x2048xf32, #tpu.memory_space<vmem>>
    %dma_wait3A_259 = arith.constant 0 : i32
    %dma_wait3A_260 = tpu.memref_slice %arg2[%add3A_234, %dma_wait3A_259] : memref<8192x2048xf32, #tpu.memory_space<hbm>> -> memref<16x2048xf32, #tpu.memory_space<hbm>>
    tpu.wait_dma2 semaphore(%arg5 : memref<!tpu.dma_semaphore, #tpu.memory_space<semaphore_mem>>) src(%dma_wait3A_260 : memref<16x2048xf32, #tpu.memory_space<hbm>>) dst(%dma_wait3A_258 : memref<16x2048xf32, #tpu.memory_space<vmem>>)
    %add3A_261 = arith.constant 32 : i32
    %add3A_262 = arith.addi %mul3A_2, %add3A_261 : i32
    %add3A_263 = arith.constant 0 : i32
    %add3A_264 = arith.addi %add3A_263, %add3A_262 : i32
    %dma_start3A_265 = arith.constant 0 : i32
    %dma_start3A_266 = arith.constant 0 : i32
    %dma_start3A_267 = arith.constant 0 : i32
    %dma_start3A_268 = tpu.memref_slice %arg4[%dma_start3A_265, %dma_start3A_266, %dma_start3A_267] : memref<2x16x2048xf32, #tpu.memory_space<vmem>> -> memref<1x16x2048xf32, #tpu.memory_space<vmem>>
    %dma_start3A_269 = tpu.memref_squeeze %dma_start3A_268 : memref<1x16x2048xf32, #tpu.memory_space<vmem>> -> memref<16x2048xf32, #tpu.memory_space<vmem>>
    %dma_start3A_270 = arith.constant 0 : i32
    %dma_start3A_271 = tpu.memref_slice %arg3[%add3A_264, %dma_start3A_270] : memref<16384x2048xf32, #tpu.memory_space<hbm>> -> memref<16x2048xf32, #tpu.memory_space<hbm>>
    %dma_start3A_272 = arith.constant 0 : i32
    %dma_start3A_273 = tpu.memref_slice %arg3[%add3A_264, %dma_start3A_272] : memref<16384x2048xf32, #tpu.memory_space<hbm>> -> memref<16x2048xf32, #tpu.memory_space<hbm>>
    %dma_start3A_274 = arith.constant 0 : i32
    %dma_start3A_275 = arith.constant 0 : i32
    %dma_start3A_276 = tpu.memref_slice %arg4[%dma_start3A_265, %dma_start3A_274, %dma_start3A_275] : memref<2x16x2048xf32, #tpu.memory_space<vmem>> -> memref<1x16x2048xf32, #tpu.memory_space<vmem>>
    %dma_start3A_277 = tpu.memref_squeeze %dma_start3A_276 : memref<1x16x2048xf32, #tpu.memory_space<vmem>> -> memref<16x2048xf32, #tpu.memory_space<vmem>>
    tpu.enqueue_dma source(%dma_start3A_277 : memref<16x2048xf32, #tpu.memory_space<vmem>>) target(%dma_start3A_273 : memref<16x2048xf32, #tpu.memory_space<hbm>>) target_semaphore(%arg6 : memref<!tpu.dma_semaphore, #tpu.memory_space<semaphore_mem>>)
    %add3A_278 = arith.constant 4096 : i32
    %add3A_279 = arith.addi %add3A_278, %add3A_262 : i32
    %dma_start3A_280 = arith.constant 0 : i32
    %dma_start3A_281 = arith.constant 0 : i32
    %dma_start3A_282 = arith.constant 0 : i32
    %dma_start3A_283 = tpu.memref_slice %arg4[%dma_start3A_280, %dma_start3A_281, %dma_start3A_282] : memref<2x16x2048xf32, #tpu.memory_space<vmem>> -> memref<1x16x2048xf32, #tpu.memory_space<vmem>>
    %dma_start3A_284 = tpu.memref_squeeze %dma_start3A_283 : memref<1x16x2048xf32, #tpu.memory_space<vmem>> -> memref<16x2048xf32, #tpu.memory_space<vmem>>
    %dma_start3A_285 = arith.constant 0 : i32
    %dma_start3A_286 = tpu.memref_slice %arg3[%add3A_279, %dma_start3A_285] : memref<16384x2048xf32, #tpu.memory_space<hbm>> -> memref<16x2048xf32, #tpu.memory_space<hbm>>
    %dma_start3A_287 = arith.constant 0 : i32
    %dma_start3A_288 = tpu.memref_slice %arg3[%add3A_279, %dma_start3A_287] : memref<16384x2048xf32, #tpu.memory_space<hbm>> -> memref<16x2048xf32, #tpu.memory_space<hbm>>
    %dma_start3A_289 = arith.constant 0 : i32
    %dma_start3A_290 = arith.constant 0 : i32
    %dma_start3A_291 = tpu.memref_slice %arg4[%dma_start3A_280, %dma_start3A_289, %dma_start3A_290] : memref<2x16x2048xf32, #tpu.memory_space<vmem>> -> memref<1x16x2048xf32, #tpu.memory_space<vmem>>
    %dma_start3A_292 = tpu.memref_squeeze %dma_start3A_291 : memref<1x16x2048xf32, #tpu.memory_space<vmem>> -> memref<16x2048xf32, #tpu.memory_space<vmem>>
    tpu.enqueue_dma source(%dma_start3A_292 : memref<16x2048xf32, #tpu.memory_space<vmem>>) target(%dma_start3A_288 : memref<16x2048xf32, #tpu.memory_space<hbm>>) target_semaphore(%arg6 : memref<!tpu.dma_semaphore, #tpu.memory_space<semaphore_mem>>)
    %add3A_293 = arith.constant 8192 : i32
    %add3A_294 = arith.addi %add3A_293, %add3A_262 : i32
    %dma_start3A_295 = arith.constant 0 : i32
    %dma_start3A_296 = arith.constant 0 : i32
    %dma_start3A_297 = arith.constant 0 : i32
    %dma_start3A_298 = tpu.memref_slice %arg4[%dma_start3A_295, %dma_start3A_296, %dma_start3A_297] : memref<2x16x2048xf32, #tpu.memory_space<vmem>> -> memref<1x16x2048xf32, #tpu.memory_space<vmem>>
    %dma_start3A_299 = tpu.memref_squeeze %dma_start3A_298 : memref<1x16x2048xf32, #tpu.memory_space<vmem>> -> memref<16x2048xf32, #tpu.memory_space<vmem>>
    %dma_start3A_300 = arith.constant 0 : i32
    %dma_start3A_301 = tpu.memref_slice %arg3[%add3A_294, %dma_start3A_300] : memref<16384x2048xf32, #tpu.memory_space<hbm>> -> memref<16x2048xf32, #tpu.memory_space<hbm>>
    %dma_start3A_302 = arith.constant 0 : i32
    %dma_start3A_303 = tpu.memref_slice %arg3[%add3A_294, %dma_start3A_302] : memref<16384x2048xf32, #tpu.memory_space<hbm>> -> memref<16x2048xf32, #tpu.memory_space<hbm>>
    %dma_start3A_304 = arith.constant 0 : i32
    %dma_start3A_305 = arith.constant 0 : i32
    %dma_start3A_306 = tpu.memref_slice %arg4[%dma_start3A_295, %dma_start3A_304, %dma_start3A_305] : memref<2x16x2048xf32, #tpu.memory_space<vmem>> -> memref<1x16x2048xf32, #tpu.memory_space<vmem>>
    %dma_start3A_307 = tpu.memref_squeeze %dma_start3A_306 : memref<1x16x2048xf32, #tpu.memory_space<vmem>> -> memref<16x2048xf32, #tpu.memory_space<vmem>>
    tpu.enqueue_dma source(%dma_start3A_307 : memref<16x2048xf32, #tpu.memory_space<vmem>>) target(%dma_start3A_303 : memref<16x2048xf32, #tpu.memory_space<hbm>>) target_semaphore(%arg6 : memref<!tpu.dma_semaphore, #tpu.memory_space<semaphore_mem>>)
    %add3A_308 = arith.constant 12288 : i32
    %add3A_309 = arith.addi %add3A_308, %add3A_262 : i32
    %dma_start3A_310 = arith.constant 0 : i32
    %dma_start3A_311 = arith.constant 0 : i32
    %dma_start3A_312 = arith.constant 0 : i32
    %dma_start3A_313 = tpu.memref_slice %arg4[%dma_start3A_310, %dma_start3A_311, %dma_start3A_312] : memref<2x16x2048xf32, #tpu.memory_space<vmem>> -> memref<1x16x2048xf32, #tpu.memory_space<vmem>>
    %dma_start3A_314 = tpu.memref_squeeze %dma_start3A_313 : memref<1x16x2048xf32, #tpu.memory_space<vmem>> -> memref<16x2048xf32, #tpu.memory_space<vmem>>
    %dma_start3A_315 = arith.constant 0 : i32
    %dma_start3A_316 = tpu.memref_slice %arg3[%add3A_309, %dma_start3A_315] : memref<16384x2048xf32, #tpu.memory_space<hbm>> -> memref<16x2048xf32, #tpu.memory_space<hbm>>
    %dma_start3A_317 = arith.constant 0 : i32
    %dma_start3A_318 = tpu.memref_slice %arg3[%add3A_309, %dma_start3A_317] : memref<16384x2048xf32, #tpu.memory_space<hbm>> -> memref<16x2048xf32, #tpu.memory_space<hbm>>
    %dma_start3A_319 = arith.constant 0 : i32
    %dma_start3A_320 = arith.constant 0 : i32
    %dma_start3A_321 = tpu.memref_slice %arg4[%dma_start3A_310, %dma_start3A_319, %dma_start3A_320] : memref<2x16x2048xf32, #tpu.memory_space<vmem>> -> memref<1x16x2048xf32, #tpu.memory_space<vmem>>
    %dma_start3A_322 = tpu.memref_squeeze %dma_start3A_321 : memref<1x16x2048xf32, #tpu.memory_space<vmem>> -> memref<16x2048xf32, #tpu.memory_space<vmem>>
    tpu.enqueue_dma source(%dma_start3A_322 : memref<16x2048xf32, #tpu.memory_space<vmem>>) target(%dma_start3A_318 : memref<16x2048xf32, #tpu.memory_space<hbm>>) target_semaphore(%arg6 : memref<!tpu.dma_semaphore, #tpu.memory_space<semaphore_mem>>)
    %dma_wait3A_323 = arith.constant 1 : i32
    %dma_wait3A_324 = arith.constant 0 : i32
    %dma_wait3A_325 = arith.constant 0 : i32
    %dma_wait3A_326 = tpu.memref_slice %arg4[%dma_wait3A_323, %dma_wait3A_324, %dma_wait3A_325] : memref<2x16x2048xf32, #tpu.memory_space<vmem>> -> memref<1x16x2048xf32, #tpu.memory_space<vmem>>
    %dma_wait3A_327 = tpu.memref_squeeze %dma_wait3A_326 : memref<1x16x2048xf32, #tpu.memory_space<vmem>> -> memref<16x2048xf32, #tpu.memory_space<vmem>>
    %dma_wait3A_328 = arith.constant 0 : i32
    %dma_wait3A_329 = tpu.memref_slice %arg3[%add3A_122, %dma_wait3A_328] : memref<16384x2048xf32, #tpu.memory_space<hbm>> -> memref<16x2048xf32, #tpu.memory_space<hbm>>
    %dma_wait3A_330 = arith.constant 0 : i32
    %dma_wait3A_331 = tpu.memref_slice %arg3[%add3A_122, %dma_wait3A_330] : memref<16384x2048xf32, #tpu.memory_space<hbm>> -> memref<16x2048xf32, #tpu.memory_space<hbm>>
    %dma_wait3A_332 = arith.constant 0 : i32
    %dma_wait3A_333 = arith.constant 0 : i32
    %dma_wait3A_334 = tpu.memref_slice %arg4[%dma_wait3A_323, %dma_wait3A_332, %dma_wait3A_333] : memref<2x16x2048xf32, #tpu.memory_space<vmem>> -> memref<1x16x2048xf32, #tpu.memory_space<vmem>>
    %dma_wait3A_335 = tpu.memref_squeeze %dma_wait3A_334 : memref<1x16x2048xf32, #tpu.memory_space<vmem>> -> memref<16x2048xf32, #tpu.memory_space<vmem>>
    tpu.wait_dma2 semaphore(%arg6 : memref<!tpu.dma_semaphore, #tpu.memory_space<semaphore_mem>>) src(%dma_wait3A_335 : memref<16x2048xf32, #tpu.memory_space<vmem>>) dst(%dma_wait3A_331 : memref<16x2048xf32, #tpu.memory_space<hbm>>)
    %dma_wait3A_336 = arith.constant 1 : i32
    %dma_wait3A_337 = arith.constant 0 : i32
    %dma_wait3A_338 = arith.constant 0 : i32
    %dma_wait3A_339 = tpu.memref_slice %arg4[%dma_wait3A_336, %dma_wait3A_337, %dma_wait3A_338] : memref<2x16x2048xf32, #tpu.memory_space<vmem>> -> memref<1x16x2048xf32, #tpu.memory_space<vmem>>
    %dma_wait3A_340 = tpu.memref_squeeze %dma_wait3A_339 : memref<1x16x2048xf32, #tpu.memory_space<vmem>> -> memref<16x2048xf32, #tpu.memory_space<vmem>>
    %dma_wait3A_341 = arith.constant 0 : i32
    %dma_wait3A_342 = tpu.memref_slice %arg3[%add3A_137, %dma_wait3A_341] : memref<16384x2048xf32, #tpu.memory_space<hbm>> -> memref<16x2048xf32, #tpu.memory_space<hbm>>
    %dma_wait3A_343 = arith.constant 0 : i32
    %dma_wait3A_344 = tpu.memref_slice %arg3[%add3A_137, %dma_wait3A_343] : memref<16384x2048xf32, #tpu.memory_space<hbm>> -> memref<16x2048xf32, #tpu.memory_space<hbm>>
    %dma_wait3A_345 = arith.constant 0 : i32
    %dma_wait3A_346 = arith.constant 0 : i32
    %dma_wait3A_347 = tpu.memref_slice %arg4[%dma_wait3A_336, %dma_wait3A_345, %dma_wait3A_346] : memref<2x16x2048xf32, #tpu.memory_space<vmem>> -> memref<1x16x2048xf32, #tpu.memory_space<vmem>>
    %dma_wait3A_348 = tpu.memref_squeeze %dma_wait3A_347 : memref<1x16x2048xf32, #tpu.memory_space<vmem>> -> memref<16x2048xf32, #tpu.memory_space<vmem>>
    tpu.wait_dma2 semaphore(%arg6 : memref<!tpu.dma_semaphore, #tpu.memory_space<semaphore_mem>>) src(%dma_wait3A_348 : memref<16x2048xf32, #tpu.memory_space<vmem>>) dst(%dma_wait3A_344 : memref<16x2048xf32, #tpu.memory_space<hbm>>)
    %dma_wait3A_349 = arith.constant 1 : i32
    %dma_wait3A_350 = arith.constant 0 : i32
    %dma_wait3A_351 = arith.constant 0 : i32
    %dma_wait3A_352 = tpu.memref_slice %arg4[%dma_wait3A_349, %dma_wait3A_350, %dma_wait3A_351] : memref<2x16x2048xf32, #tpu.memory_space<vmem>> -> memref<1x16x2048xf32, #tpu.memory_space<vmem>>
    %dma_wait3A_353 = tpu.memref_squeeze %dma_wait3A_352 : memref<1x16x2048xf32, #tpu.memory_space<vmem>> -> memref<16x2048xf32, #tpu.memory_space<vmem>>
    %dma_wait3A_354 = arith.constant 0 : i32
    %dma_wait3A_355 = tpu.memref_slice %arg3[%add3A_152, %dma_wait3A_354] : memref<16384x2048xf32, #tpu.memory_space<hbm>> -> memref<16x2048xf32, #tpu.memory_space<hbm>>
    %dma_wait3A_356 = arith.constant 0 : i32
    %dma_wait3A_357 = tpu.memref_slice %arg3[%add3A_152, %dma_wait3A_356] : memref<16384x2048xf32, #tpu.memory_space<hbm>> -> memref<16x2048xf32, #tpu.memory_space<hbm>>
    %dma_wait3A_358 = arith.constant 0 : i32
    %dma_wait3A_359 = arith.constant 0 : i32
    %dma_wait3A_360 = tpu.memref_slice %arg4[%dma_wait3A_349, %dma_wait3A_358, %dma_wait3A_359] : memref<2x16x2048xf32, #tpu.memory_space<vmem>> -> memref<1x16x2048xf32, #tpu.memory_space<vmem>>
    %dma_wait3A_361 = tpu.memref_squeeze %dma_wait3A_360 : memref<1x16x2048xf32, #tpu.memory_space<vmem>> -> memref<16x2048xf32, #tpu.memory_space<vmem>>
    tpu.wait_dma2 semaphore(%arg6 : memref<!tpu.dma_semaphore, #tpu.memory_space<semaphore_mem>>) src(%dma_wait3A_361 : memref<16x2048xf32, #tpu.memory_space<vmem>>) dst(%dma_wait3A_357 : memref<16x2048xf32, #tpu.memory_space<hbm>>)
    %dma_wait3A_362 = arith.constant 1 : i32
    %dma_wait3A_363 = arith.constant 0 : i32
    %dma_wait3A_364 = arith.constant 0 : i32
    %dma_wait3A_365 = tpu.memref_slice %arg4[%dma_wait3A_362, %dma_wait3A_363, %dma_wait3A_364] : memref<2x16x2048xf32, #tpu.memory_space<vmem>> -> memref<1x16x2048xf32, #tpu.memory_space<vmem>>
    %dma_wait3A_366 = tpu.memref_squeeze %dma_wait3A_365 : memref<1x16x2048xf32, #tpu.memory_space<vmem>> -> memref<16x2048xf32, #tpu.memory_space<vmem>>
    %dma_wait3A_367 = arith.constant 0 : i32
    %dma_wait3A_368 = tpu.memref_slice %arg3[%add3A_167, %dma_wait3A_367] : memref<16384x2048xf32, #tpu.memory_space<hbm>> -> memref<16x2048xf32, #tpu.memory_space<hbm>>
    %dma_wait3A_369 = arith.constant 0 : i32
    %dma_wait3A_370 = tpu.memref_slice %arg3[%add3A_167, %dma_wait3A_369] : memref<16384x2048xf32, #tpu.memory_space<hbm>> -> memref<16x2048xf32, #tpu.memory_space<hbm>>
    %dma_wait3A_371 = arith.constant 0 : i32
    %dma_wait3A_372 = arith.constant 0 : i32
    %dma_wait3A_373 = tpu.memref_slice %arg4[%dma_wait3A_362, %dma_wait3A_371, %dma_wait3A_372] : memref<2x16x2048xf32, #tpu.memory_space<vmem>> -> memref<1x16x2048xf32, #tpu.memory_space<vmem>>
    %dma_wait3A_374 = tpu.memref_squeeze %dma_wait3A_373 : memref<1x16x2048xf32, #tpu.memory_space<vmem>> -> memref<16x2048xf32, #tpu.memory_space<vmem>>
    tpu.wait_dma2 semaphore(%arg6 : memref<!tpu.dma_semaphore, #tpu.memory_space<semaphore_mem>>) src(%dma_wait3A_374 : memref<16x2048xf32, #tpu.memory_space<vmem>>) dst(%dma_wait3A_370 : memref<16x2048xf32, #tpu.memory_space<hbm>>)
    %add3A_375 = arith.constant 48 : i32
    %add3A_376 = arith.addi %mul3A_2, %add3A_375 : i32
    %dma_start3A_377 = arith.constant 1 : i32
    %dma_start3A_378 = arith.constant 0 : i32
    %dma_start3A_379 = arith.constant 0 : i32
    %dma_start3A_380 = tpu.memref_slice %arg4[%dma_start3A_377, %dma_start3A_378, %dma_start3A_379] : memref<2x16x2048xf32, #tpu.memory_space<vmem>> -> memref<1x16x2048xf32, #tpu.memory_space<vmem>>
    %dma_start3A_381 = tpu.memref_squeeze %dma_start3A_380 : memref<1x16x2048xf32, #tpu.memory_space<vmem>> -> memref<16x2048xf32, #tpu.memory_space<vmem>>
    %dma_start3A_382 = arith.constant 0 : i32
    %dma_start3A_383 = tpu.memref_slice %arg2[%add3A_376, %dma_start3A_382] : memref<8192x2048xf32, #tpu.memory_space<hbm>> -> memref<16x2048xf32, #tpu.memory_space<hbm>>
    %dma_start3A_384 = arith.constant 0 : i32
    %dma_start3A_385 = arith.constant 0 : i32
    %dma_start3A_386 = tpu.memref_slice %arg4[%dma_start3A_377, %dma_start3A_384, %dma_start3A_385] : memref<2x16x2048xf32, #tpu.memory_space<vmem>> -> memref<1x16x2048xf32, #tpu.memory_space<vmem>>
    %dma_start3A_387 = tpu.memref_squeeze %dma_start3A_386 : memref<1x16x2048xf32, #tpu.memory_space<vmem>> -> memref<16x2048xf32, #tpu.memory_space<vmem>>
    %dma_start3A_388 = arith.constant 0 : i32
    %dma_start3A_389 = tpu.memref_slice %arg2[%add3A_376, %dma_start3A_388] : memref<8192x2048xf32, #tpu.memory_space<hbm>> -> memref<16x2048xf32, #tpu.memory_space<hbm>>
    tpu.enqueue_dma source(%dma_start3A_389 : memref<16x2048xf32, #tpu.memory_space<hbm>>) target(%dma_start3A_387 : memref<16x2048xf32, #tpu.memory_space<vmem>>) target_semaphore(%arg5 : memref<!tpu.dma_semaphore, #tpu.memory_space<semaphore_mem>>)
    %dma_wait3A_390 = arith.constant 1 : i32
    %dma_wait3A_391 = arith.constant 0 : i32
    %dma_wait3A_392 = arith.constant 0 : i32
    %dma_wait3A_393 = tpu.memref_slice %arg4[%dma_wait3A_390, %dma_wait3A_391, %dma_wait3A_392] : memref<2x16x2048xf32, #tpu.memory_space<vmem>> -> memref<1x16x2048xf32, #tpu.memory_space<vmem>>
    %dma_wait3A_394 = tpu.memref_squeeze %dma_wait3A_393 : memref<1x16x2048xf32, #tpu.memory_space<vmem>> -> memref<16x2048xf32, #tpu.memory_space<vmem>>
    %dma_wait3A_395 = arith.constant 0 : i32
    %dma_wait3A_396 = tpu.memref_slice %arg2[%add3A_376, %dma_wait3A_395] : memref<8192x2048xf32, #tpu.memory_space<hbm>> -> memref<16x2048xf32, #tpu.memory_space<hbm>>
    %dma_wait3A_397 = arith.constant 0 : i32
    %dma_wait3A_398 = arith.constant 0 : i32
    %dma_wait3A_399 = tpu.memref_slice %arg4[%dma_wait3A_390, %dma_wait3A_397, %dma_wait3A_398] : memref<2x16x2048xf32, #tpu.memory_space<vmem>> -> memref<1x16x2048xf32, #tpu.memory_space<vmem>>
    %dma_wait3A_400 = tpu.memref_squeeze %dma_wait3A_399 : memref<1x16x2048xf32, #tpu.memory_space<vmem>> -> memref<16x2048xf32, #tpu.memory_space<vmem>>
    %dma_wait3A_401 = arith.constant 0 : i32
    %dma_wait3A_402 = tpu.memref_slice %arg2[%add3A_376, %dma_wait3A_401] : memref<8192x2048xf32, #tpu.memory_space<hbm>> -> memref<16x2048xf32, #tpu.memory_space<hbm>>
    tpu.wait_dma2 semaphore(%arg5 : memref<!tpu.dma_semaphore, #tpu.memory_space<semaphore_mem>>) src(%dma_wait3A_402 : memref<16x2048xf32, #tpu.memory_space<hbm>>) dst(%dma_wait3A_400 : memref<16x2048xf32, #tpu.memory_space<vmem>>)
    %add3A_403 = arith.constant 48 : i32
    %add3A_404 = arith.addi %mul3A_2, %add3A_403 : i32
    %add3A_405 = arith.constant 0 : i32
    %add3A_406 = arith.addi %add3A_405, %add3A_404 : i32
    %dma_start3A_407 = arith.constant 1 : i32
    %dma_start3A_408 = arith.constant 0 : i32
    %dma_start3A_409 = arith.constant 0 : i32
    %dma_start3A_410 = tpu.memref_slice %arg4[%dma_start3A_407, %dma_start3A_408, %dma_start3A_409] : memref<2x16x2048xf32, #tpu.memory_space<vmem>> -> memref<1x16x2048xf32, #tpu.memory_space<vmem>>
    %dma_start3A_411 = tpu.memref_squeeze %dma_start3A_410 : memref<1x16x2048xf32, #tpu.memory_space<vmem>> -> memref<16x2048xf32, #tpu.memory_space<vmem>>
    %dma_start3A_412 = arith.constant 0 : i32
    %dma_start3A_413 = tpu.memref_slice %arg3[%add3A_406, %dma_start3A_412] : memref<16384x2048xf32, #tpu.memory_space<hbm>> -> memref<16x2048xf32, #tpu.memory_space<hbm>>
    %dma_start3A_414 = arith.constant 0 : i32
    %dma_start3A_415 = tpu.memref_slice %arg3[%add3A_406, %dma_start3A_414] : memref<16384x2048xf32, #tpu.memory_space<hbm>> -> memref<16x2048xf32, #tpu.memory_space<hbm>>
    %dma_start3A_416 = arith.constant 0 : i32
    %dma_start3A_417 = arith.constant 0 : i32
    %dma_start3A_418 = tpu.memref_slice %arg4[%dma_start3A_407, %dma_start3A_416, %dma_start3A_417] : memref<2x16x2048xf32, #tpu.memory_space<vmem>> -> memref<1x16x2048xf32, #tpu.memory_space<vmem>>
    %dma_start3A_419 = tpu.memref_squeeze %dma_start3A_418 : memref<1x16x2048xf32, #tpu.memory_space<vmem>> -> memref<16x2048xf32, #tpu.memory_space<vmem>>
    tpu.enqueue_dma source(%dma_start3A_419 : memref<16x2048xf32, #tpu.memory_space<vmem>>) target(%dma_start3A_415 : memref<16x2048xf32, #tpu.memory_space<hbm>>) target_semaphore(%arg6 : memref<!tpu.dma_semaphore, #tpu.memory_space<semaphore_mem>>)
    %add3A_420 = arith.constant 4096 : i32
    %add3A_421 = arith.addi %add3A_420, %add3A_404 : i32
    %dma_start3A_422 = arith.constant 1 : i32
    %dma_start3A_423 = arith.constant 0 : i32
    %dma_start3A_424 = arith.constant 0 : i32
    %dma_start3A_425 = tpu.memref_slice %arg4[%dma_start3A_422, %dma_start3A_423, %dma_start3A_424] : memref<2x16x2048xf32, #tpu.memory_space<vmem>> -> memref<1x16x2048xf32, #tpu.memory_space<vmem>>
    %dma_start3A_426 = tpu.memref_squeeze %dma_start3A_425 : memref<1x16x2048xf32, #tpu.memory_space<vmem>> -> memref<16x2048xf32, #tpu.memory_space<vmem>>
    %dma_start3A_427 = arith.constant 0 : i32
    %dma_start3A_428 = tpu.memref_slice %arg3[%add3A_421, %dma_start3A_427] : memref<16384x2048xf32, #tpu.memory_space<hbm>> -> memref<16x2048xf32, #tpu.memory_space<hbm>>
    %dma_start3A_429 = arith.constant 0 : i32
    %dma_start3A_430 = tpu.memref_slice %arg3[%add3A_421, %dma_start3A_429] : memref<16384x2048xf32, #tpu.memory_space<hbm>> -> memref<16x2048xf32, #tpu.memory_space<hbm>>
    %dma_start3A_431 = arith.constant 0 : i32
    %dma_start3A_432 = arith.constant 0 : i32
    %dma_start3A_433 = tpu.memref_slice %arg4[%dma_start3A_422, %dma_start3A_431, %dma_start3A_432] : memref<2x16x2048xf32, #tpu.memory_space<vmem>> -> memref<1x16x2048xf32, #tpu.memory_space<vmem>>
    %dma_start3A_434 = tpu.memref_squeeze %dma_start3A_433 : memref<1x16x2048xf32, #tpu.memory_space<vmem>> -> memref<16x2048xf32, #tpu.memory_space<vmem>>
    tpu.enqueue_dma source(%dma_start3A_434 : memref<16x2048xf32, #tpu.memory_space<vmem>>) target(%dma_start3A_430 : memref<16x2048xf32, #tpu.memory_space<hbm>>) target_semaphore(%arg6 : memref<!tpu.dma_semaphore, #tpu.memory_space<semaphore_mem>>)
    %add3A_435 = arith.constant 8192 : i32
    %add3A_436 = arith.addi %add3A_435, %add3A_404 : i32
    %dma_start3A_437 = arith.constant 1 : i32
    %dma_start3A_438 = arith.constant 0 : i32
    %dma_start3A_439 = arith.constant 0 : i32
    %dma_start3A_440 = tpu.memref_slice %arg4[%dma_start3A_437, %dma_start3A_438, %dma_start3A_439] : memref<2x16x2048xf32, #tpu.memory_space<vmem>> -> memref<1x16x2048xf32, #tpu.memory_space<vmem>>
    %dma_start3A_441 = tpu.memref_squeeze %dma_start3A_440 : memref<1x16x2048xf32, #tpu.memory_space<vmem>> -> memref<16x2048xf32, #tpu.memory_space<vmem>>
    %dma_start3A_442 = arith.constant 0 : i32
    %dma_start3A_443 = tpu.memref_slice %arg3[%add3A_436, %dma_start3A_442] : memref<16384x2048xf32, #tpu.memory_space<hbm>> -> memref<16x2048xf32, #tpu.memory_space<hbm>>
    %dma_start3A_444 = arith.constant 0 : i32
    %dma_start3A_445 = tpu.memref_slice %arg3[%add3A_436, %dma_start3A_444] : memref<16384x2048xf32, #tpu.memory_space<hbm>> -> memref<16x2048xf32, #tpu.memory_space<hbm>>
    %dma_start3A_446 = arith.constant 0 : i32
    %dma_start3A_447 = arith.constant 0 : i32
    %dma_start3A_448 = tpu.memref_slice %arg4[%dma_start3A_437, %dma_start3A_446, %dma_start3A_447] : memref<2x16x2048xf32, #tpu.memory_space<vmem>> -> memref<1x16x2048xf32, #tpu.memory_space<vmem>>
    %dma_start3A_449 = tpu.memref_squeeze %dma_start3A_448 : memref<1x16x2048xf32, #tpu.memory_space<vmem>> -> memref<16x2048xf32, #tpu.memory_space<vmem>>
    tpu.enqueue_dma source(%dma_start3A_449 : memref<16x2048xf32, #tpu.memory_space<vmem>>) target(%dma_start3A_445 : memref<16x2048xf32, #tpu.memory_space<hbm>>) target_semaphore(%arg6 : memref<!tpu.dma_semaphore, #tpu.memory_space<semaphore_mem>>)
    %add3A_450 = arith.constant 12288 : i32
    %add3A_451 = arith.addi %add3A_450, %add3A_404 : i32
    %dma_start3A_452 = arith.constant 1 : i32
    %dma_start3A_453 = arith.constant 0 : i32
    %dma_start3A_454 = arith.constant 0 : i32
    %dma_start3A_455 = tpu.memref_slice %arg4[%dma_start3A_452, %dma_start3A_453, %dma_start3A_454] : memref<2x16x2048xf32, #tpu.memory_space<vmem>> -> memref<1x16x2048xf32, #tpu.memory_space<vmem>>
    %dma_start3A_456 = tpu.memref_squeeze %dma_start3A_455 : memref<1x16x2048xf32, #tpu.memory_space<vmem>> -> memref<16x2048xf32, #tpu.memory_space<vmem>>
    %dma_start3A_457 = arith.constant 0 : i32
    %dma_start3A_458 = tpu.memref_slice %arg3[%add3A_451, %dma_start3A_457] : memref<16384x2048xf32, #tpu.memory_space<hbm>> -> memref<16x2048xf32, #tpu.memory_space<hbm>>
    %dma_start3A_459 = arith.constant 0 : i32
    %dma_start3A_460 = tpu.memref_slice %arg3[%add3A_451, %dma_start3A_459] : memref<16384x2048xf32, #tpu.memory_space<hbm>> -> memref<16x2048xf32, #tpu.memory_space<hbm>>
    %dma_start3A_461 = arith.constant 0 : i32
    %dma_start3A_462 = arith.constant 0 : i32
    %dma_start3A_463 = tpu.memref_slice %arg4[%dma_start3A_452, %dma_start3A_461, %dma_start3A_462] : memref<2x16x2048xf32, #tpu.memory_space<vmem>> -> memref<1x16x2048xf32, #tpu.memory_space<vmem>>
    %dma_start3A_464 = tpu.memref_squeeze %dma_start3A_463 : memref<1x16x2048xf32, #tpu.memory_space<vmem>> -> memref<16x2048xf32, #tpu.memory_space<vmem>>
    tpu.enqueue_dma source(%dma_start3A_464 : memref<16x2048xf32, #tpu.memory_space<vmem>>) target(%dma_start3A_460 : memref<16x2048xf32, #tpu.memory_space<hbm>>) target_semaphore(%arg6 : memref<!tpu.dma_semaphore, #tpu.memory_space<semaphore_mem>>)
    %dma_wait3A_465 = arith.constant 0 : i32
    %dma_wait3A_466 = arith.constant 0 : i32
    %dma_wait3A_467 = arith.constant 0 : i32
    %dma_wait3A_468 = tpu.memref_slice %arg4[%dma_wait3A_465, %dma_wait3A_466, %dma_wait3A_467] : memref<2x16x2048xf32, #tpu.memory_space<vmem>> -> memref<1x16x2048xf32, #tpu.memory_space<vmem>>
    %dma_wait3A_469 = tpu.memref_squeeze %dma_wait3A_468 : memref<1x16x2048xf32, #tpu.memory_space<vmem>> -> memref<16x2048xf32, #tpu.memory_space<vmem>>
    %dma_wait3A_470 = arith.constant 0 : i32
    %dma_wait3A_471 = tpu.memref_slice %arg3[%add3A_264, %dma_wait3A_470] : memref<16384x2048xf32, #tpu.memory_space<hbm>> -> memref<16x2048xf32, #tpu.memory_space<hbm>>
    %dma_wait3A_472 = arith.constant 0 : i32
    %dma_wait3A_473 = tpu.memref_slice %arg3[%add3A_264, %dma_wait3A_472] : memref<16384x2048xf32, #tpu.memory_space<hbm>> -> memref<16x2048xf32, #tpu.memory_space<hbm>>
    %dma_wait3A_474 = arith.constant 0 : i32
    %dma_wait3A_475 = arith.constant 0 : i32
    %dma_wait3A_476 = tpu.memref_slice %arg4[%dma_wait3A_465, %dma_wait3A_474, %dma_wait3A_475] : memref<2x16x2048xf32, #tpu.memory_space<vmem>> -> memref<1x16x2048xf32, #tpu.memory_space<vmem>>
    %dma_wait3A_477 = tpu.memref_squeeze %dma_wait3A_476 : memref<1x16x2048xf32, #tpu.memory_space<vmem>> -> memref<16x2048xf32, #tpu.memory_space<vmem>>
    tpu.wait_dma2 semaphore(%arg6 : memref<!tpu.dma_semaphore, #tpu.memory_space<semaphore_mem>>) src(%dma_wait3A_477 : memref<16x2048xf32, #tpu.memory_space<vmem>>) dst(%dma_wait3A_473 : memref<16x2048xf32, #tpu.memory_space<hbm>>)
    %dma_wait3A_478 = arith.constant 0 : i32
    %dma_wait3A_479 = arith.constant 0 : i32
    %dma_wait3A_480 = arith.constant 0 : i32
    %dma_wait3A_481 = tpu.memref_slice %arg4[%dma_wait3A_478, %dma_wait3A_479, %dma_wait3A_480] : memref<2x16x2048xf32, #tpu.memory_space<vmem>> -> memref<1x16x2048xf32, #tpu.memory_space<vmem>>
    %dma_wait3A_482 = tpu.memref_squeeze %dma_wait3A_481 : memref<1x16x2048xf32, #tpu.memory_space<vmem>> -> memref<16x2048xf32, #tpu.memory_space<vmem>>
    %dma_wait3A_483 = arith.constant 0 : i32
    %dma_wait3A_484 = tpu.memref_slice %arg3[%add3A_279, %dma_wait3A_483] : memref<16384x2048xf32, #tpu.memory_space<hbm>> -> memref<16x2048xf32, #tpu.memory_space<hbm>>
    %dma_wait3A_485 = arith.constant 0 : i32
    %dma_wait3A_486 = tpu.memref_slice %arg3[%add3A_279, %dma_wait3A_485] : memref<16384x2048xf32, #tpu.memory_space<hbm>> -> memref<16x2048xf32, #tpu.memory_space<hbm>>
    %dma_wait3A_487 = arith.constant 0 : i32
    %dma_wait3A_488 = arith.constant 0 : i32
    %dma_wait3A_489 = tpu.memref_slice %arg4[%dma_wait3A_478, %dma_wait3A_487, %dma_wait3A_488] : memref<2x16x2048xf32, #tpu.memory_space<vmem>> -> memref<1x16x2048xf32, #tpu.memory_space<vmem>>
    %dma_wait3A_490 = tpu.memref_squeeze %dma_wait3A_489 : memref<1x16x2048xf32, #tpu.memory_space<vmem>> -> memref<16x2048xf32, #tpu.memory_space<vmem>>
    tpu.wait_dma2 semaphore(%arg6 : memref<!tpu.dma_semaphore, #tpu.memory_space<semaphore_mem>>) src(%dma_wait3A_490 : memref<16x2048xf32, #tpu.memory_space<vmem>>) dst(%dma_wait3A_486 : memref<16x2048xf32, #tpu.memory_space<hbm>>)
    %dma_wait3A_491 = arith.constant 0 : i32
    %dma_wait3A_492 = arith.constant 0 : i32
    %dma_wait3A_493 = arith.constant 0 : i32
    %dma_wait3A_494 = tpu.memref_slice %arg4[%dma_wait3A_491, %dma_wait3A_492, %dma_wait3A_493] : memref<2x16x2048xf32, #tpu.memory_space<vmem>> -> memref<1x16x2048xf32, #tpu.memory_space<vmem>>
    %dma_wait3A_495 = tpu.memref_squeeze %dma_wait3A_494 : memref<1x16x2048xf32, #tpu.memory_space<vmem>> -> memref<16x2048xf32, #tpu.memory_space<vmem>>
    %dma_wait3A_496 = arith.constant 0 : i32
    %dma_wait3A_497 = tpu.memref_slice %arg3[%add3A_294, %dma_wait3A_496] : memref<16384x2048xf32, #tpu.memory_space<hbm>> -> memref<16x2048xf32, #tpu.memory_space<hbm>>
    %dma_wait3A_498 = arith.constant 0 : i32
    %dma_wait3A_499 = tpu.memref_slice %arg3[%add3A_294, %dma_wait3A_498] : memref<16384x2048xf32, #tpu.memory_space<hbm>> -> memref<16x2048xf32, #tpu.memory_space<hbm>>
    %dma_wait3A_500 = arith.constant 0 : i32
    %dma_wait3A_501 = arith.constant 0 : i32
    %dma_wait3A_502 = tpu.memref_slice %arg4[%dma_wait3A_491, %dma_wait3A_500, %dma_wait3A_501] : memref<2x16x2048xf32, #tpu.memory_space<vmem>> -> memref<1x16x2048xf32, #tpu.memory_space<vmem>>
    %dma_wait3A_503 = tpu.memref_squeeze %dma_wait3A_502 : memref<1x16x2048xf32, #tpu.memory_space<vmem>> -> memref<16x2048xf32, #tpu.memory_space<vmem>>
    tpu.wait_dma2 semaphore(%arg6 : memref<!tpu.dma_semaphore, #tpu.memory_space<semaphore_mem>>) src(%dma_wait3A_503 : memref<16x2048xf32, #tpu.memory_space<vmem>>) dst(%dma_wait3A_499 : memref<16x2048xf32, #tpu.memory_space<hbm>>)
    %dma_wait3A_504 = arith.constant 0 : i32
    %dma_wait3A_505 = arith.constant 0 : i32
    %dma_wait3A_506 = arith.constant 0 : i32
    %dma_wait3A_507 = tpu.memref_slice %arg4[%dma_wait3A_504, %dma_wait3A_505, %dma_wait3A_506] : memref<2x16x2048xf32, #tpu.memory_space<vmem>> -> memref<1x16x2048xf32, #tpu.memory_space<vmem>>
    %dma_wait3A_508 = tpu.memref_squeeze %dma_wait3A_507 : memref<1x16x2048xf32, #tpu.memory_space<vmem>> -> memref<16x2048xf32, #tpu.memory_space<vmem>>
    %dma_wait3A_509 = arith.constant 0 : i32
    %dma_wait3A_510 = tpu.memref_slice %arg3[%add3A_309, %dma_wait3A_509] : memref<16384x2048xf32, #tpu.memory_space<hbm>> -> memref<16x2048xf32, #tpu.memory_space<hbm>>
    %dma_wait3A_511 = arith.constant 0 : i32
    %dma_wait3A_512 = tpu.memref_slice %arg3[%add3A_309, %dma_wait3A_511] : memref<16384x2048xf32, #tpu.memory_space<hbm>> -> memref<16x2048xf32, #tpu.memory_space<hbm>>
    %dma_wait3A_513 = arith.constant 0 : i32
    %dma_wait3A_514 = arith.constant 0 : i32
    %dma_wait3A_515 = tpu.memref_slice %arg4[%dma_wait3A_504, %dma_wait3A_513, %dma_wait3A_514] : memref<2x16x2048xf32, #tpu.memory_space<vmem>> -> memref<1x16x2048xf32, #tpu.memory_space<vmem>>
    %dma_wait3A_516 = tpu.memref_squeeze %dma_wait3A_515 : memref<1x16x2048xf32, #tpu.memory_space<vmem>> -> memref<16x2048xf32, #tpu.memory_space<vmem>>
    tpu.wait_dma2 semaphore(%arg6 : memref<!tpu.dma_semaphore, #tpu.memory_space<semaphore_mem>>) src(%dma_wait3A_516 : memref<16x2048xf32, #tpu.memory_space<vmem>>) dst(%dma_wait3A_512 : memref<16x2048xf32, #tpu.memory_space<hbm>>)
    %add3A_517 = arith.constant 64 : i32
    %add3A_518 = arith.addi %mul3A_2, %add3A_517 : i32
    %dma_start3A_519 = arith.constant 0 : i32
    %dma_start3A_520 = arith.constant 0 : i32
    %dma_start3A_521 = arith.constant 0 : i32
    %dma_start3A_522 = tpu.memref_slice %arg4[%dma_start3A_519, %dma_start3A_520, %dma_start3A_521] : memref<2x16x2048xf32, #tpu.memory_space<vmem>> -> memref<1x16x2048xf32, #tpu.memory_space<vmem>>
    %dma_start3A_523 = tpu.memref_squeeze %dma_start3A_522 : memref<1x16x2048xf32, #tpu.memory_space<vmem>> -> memref<16x2048xf32, #tpu.memory_space<vmem>>
    %dma_start3A_524 = arith.constant 0 : i32
    %dma_start3A_525 = tpu.memref_slice %arg2[%add3A_518, %dma_start3A_524] : memref<8192x2048xf32, #tpu.memory_space<hbm>> -> memref<16x2048xf32, #tpu.memory_space<hbm>>
    %dma_start3A_526 = arith.constant 0 : i32
    %dma_start3A_527 = arith.constant 0 : i32
    %dma_start3A_528 = tpu.memref_slice %arg4[%dma_start3A_519, %dma_start3A_526, %dma_start3A_527] : memref<2x16x2048xf32, #tpu.memory_space<vmem>> -> memref<1x16x2048xf32, #tpu.memory_space<vmem>>
    %dma_start3A_529 = tpu.memref_squeeze %dma_start3A_528 : memref<1x16x2048xf32, #tpu.memory_space<vmem>> -> memref<16x2048xf32, #tpu.memory_space<vmem>>
    %dma_start3A_530 = arith.constant 0 : i32
    %dma_start3A_531 = tpu.memref_slice %arg2[%add3A_518, %dma_start3A_530] : memref<8192x2048xf32, #tpu.memory_space<hbm>> -> memref<16x2048xf32, #tpu.memory_space<hbm>>
    tpu.enqueue_dma source(%dma_start3A_531 : memref<16x2048xf32, #tpu.memory_space<hbm>>) target(%dma_start3A_529 : memref<16x2048xf32, #tpu.memory_space<vmem>>) target_semaphore(%arg5 : memref<!tpu.dma_semaphore, #tpu.memory_space<semaphore_mem>>)
    %dma_wait3A_532 = arith.constant 0 : i32
    %dma_wait3A_533 = arith.constant 0 : i32
    %dma_wait3A_534 = arith.constant 0 : i32
    %dma_wait3A_535 = tpu.memref_slice %arg4[%dma_wait3A_532, %dma_wait3A_533, %dma_wait3A_534] : memref<2x16x2048xf32, #tpu.memory_space<vmem>> -> memref<1x16x2048xf32, #tpu.memory_space<vmem>>
    %dma_wait3A_536 = tpu.memref_squeeze %dma_wait3A_535 : memref<1x16x2048xf32, #tpu.memory_space<vmem>> -> memref<16x2048xf32, #tpu.memory_space<vmem>>
    %dma_wait3A_537 = arith.constant 0 : i32
    %dma_wait3A_538 = tpu.memref_slice %arg2[%add3A_518, %dma_wait3A_537] : memref<8192x2048xf32, #tpu.memory_space<hbm>> -> memref<16x2048xf32, #tpu.memory_space<hbm>>
    %dma_wait3A_539 = arith.constant 0 : i32
    %dma_wait3A_540 = arith.constant 0 : i32
    %dma_wait3A_541 = tpu.memref_slice %arg4[%dma_wait3A_532, %dma_wait3A_539, %dma_wait3A_540] : memref<2x16x2048xf32, #tpu.memory_space<vmem>> -> memref<1x16x2048xf32, #tpu.memory_space<vmem>>
    %dma_wait3A_542 = tpu.memref_squeeze %dma_wait3A_541 : memref<1x16x2048xf32, #tpu.memory_space<vmem>> -> memref<16x2048xf32, #tpu.memory_space<vmem>>
    %dma_wait3A_543 = arith.constant 0 : i32
    %dma_wait3A_544 = tpu.memref_slice %arg2[%add3A_518, %dma_wait3A_543] : memref<8192x2048xf32, #tpu.memory_space<hbm>> -> memref<16x2048xf32, #tpu.memory_space<hbm>>
    tpu.wait_dma2 semaphore(%arg5 : memref<!tpu.dma_semaphore, #tpu.memory_space<semaphore_mem>>) src(%dma_wait3A_544 : memref<16x2048xf32, #tpu.memory_space<hbm>>) dst(%dma_wait3A_542 : memref<16x2048xf32, #tpu.memory_space<vmem>>)
    %add3A_545 = arith.constant 64 : i32
    %add3A_546 = arith.addi %mul3A_2, %add3A_545 : i32
    %add3A_547 = arith.constant 0 : i32
    %add3A_548 = arith.addi %add3A_547, %add3A_546 : i32
    %dma_start3A_549 = arith.constant 0 : i32
    %dma_start3A_550 = arith.constant 0 : i32
    %dma_start3A_551 = arith.constant 0 : i32
    %dma_start3A_552 = tpu.memref_slice %arg4[%dma_start3A_549, %dma_start3A_550, %dma_start3A_551] : memref<2x16x2048xf32, #tpu.memory_space<vmem>> -> memref<1x16x2048xf32, #tpu.memory_space<vmem>>
    %dma_start3A_553 = tpu.memref_squeeze %dma_start3A_552 : memref<1x16x2048xf32, #tpu.memory_space<vmem>> -> memref<16x2048xf32, #tpu.memory_space<vmem>>
    %dma_start3A_554 = arith.constant 0 : i32
    %dma_start3A_555 = tpu.memref_slice %arg3[%add3A_548, %dma_start3A_554] : memref<16384x2048xf32, #tpu.memory_space<hbm>> -> memref<16x2048xf32, #tpu.memory_space<hbm>>
    %dma_start3A_556 = arith.constant 0 : i32
    %dma_start3A_557 = tpu.memref_slice %arg3[%add3A_548, %dma_start3A_556] : memref<16384x2048xf32, #tpu.memory_space<hbm>> -> memref<16x2048xf32, #tpu.memory_space<hbm>>
    %dma_start3A_558 = arith.constant 0 : i32
    %dma_start3A_559 = arith.constant 0 : i32
    %dma_start3A_560 = tpu.memref_slice %arg4[%dma_start3A_549, %dma_start3A_558, %dma_start3A_559] : memref<2x16x2048xf32, #tpu.memory_space<vmem>> -> memref<1x16x2048xf32, #tpu.memory_space<vmem>>
    %dma_start3A_561 = tpu.memref_squeeze %dma_start3A_560 : memref<1x16x2048xf32, #tpu.memory_space<vmem>> -> memref<16x2048xf32, #tpu.memory_space<vmem>>
    tpu.enqueue_dma source(%dma_start3A_561 : memref<16x2048xf32, #tpu.memory_space<vmem>>) target(%dma_start3A_557 : memref<16x2048xf32, #tpu.memory_space<hbm>>) target_semaphore(%arg6 : memref<!tpu.dma_semaphore, #tpu.memory_space<semaphore_mem>>)
    %add3A_562 = arith.constant 4096 : i32
    %add3A_563 = arith.addi %add3A_562, %add3A_546 : i32
    %dma_start3A_564 = arith.constant 0 : i32
    %dma_start3A_565 = arith.constant 0 : i32
    %dma_start3A_566 = arith.constant 0 : i32
    %dma_start3A_567 = tpu.memref_slice %arg4[%dma_start3A_564, %dma_start3A_565, %dma_start3A_566] : memref<2x16x2048xf32, #tpu.memory_space<vmem>> -> memref<1x16x2048xf32, #tpu.memory_space<vmem>>
    %dma_start3A_568 = tpu.memref_squeeze %dma_start3A_567 : memref<1x16x2048xf32, #tpu.memory_space<vmem>> -> memref<16x2048xf32, #tpu.memory_space<vmem>>
    %dma_start3A_569 = arith.constant 0 : i32
    %dma_start3A_570 = tpu.memref_slice %arg3[%add3A_563, %dma_start3A_569] : memref<16384x2048xf32, #tpu.memory_space<hbm>> -> memref<16x2048xf32, #tpu.memory_space<hbm>>
    %dma_start3A_571 = arith.constant 0 : i32
    %dma_start3A_572 = tpu.memref_slice %arg3[%add3A_563, %dma_start3A_571] : memref<16384x2048xf32, #tpu.memory_space<hbm>> -> memref<16x2048xf32, #tpu.memory_space<hbm>>
    %dma_start3A_573 = arith.constant 0 : i32
    %dma_start3A_574 = arith.constant 0 : i32
    %dma_start3A_575 = tpu.memref_slice %arg4[%dma_start3A_564, %dma_start3A_573, %dma_start3A_574] : memref<2x16x2048xf32, #tpu.memory_space<vmem>> -> memref<1x16x2048xf32, #tpu.memory_space<vmem>>
    %dma_start3A_576 = tpu.memref_squeeze %dma_start3A_575 : memref<1x16x2048xf32, #tpu.memory_space<vmem>> -> memref<16x2048xf32, #tpu.memory_space<vmem>>
    tpu.enqueue_dma source(%dma_start3A_576 : memref<16x2048xf32, #tpu.memory_space<vmem>>) target(%dma_start3A_572 : memref<16x2048xf32, #tpu.memory_space<hbm>>) target_semaphore(%arg6 : memref<!tpu.dma_semaphore, #tpu.memory_space<semaphore_mem>>)
    %add3A_577 = arith.constant 8192 : i32
    %add3A_578 = arith.addi %add3A_577, %add3A_546 : i32
    %dma_start3A_579 = arith.constant 0 : i32
    %dma_start3A_580 = arith.constant 0 : i32
    %dma_start3A_581 = arith.constant 0 : i32
    %dma_start3A_582 = tpu.memref_slice %arg4[%dma_start3A_579, %dma_start3A_580, %dma_start3A_581] : memref<2x16x2048xf32, #tpu.memory_space<vmem>> -> memref<1x16x2048xf32, #tpu.memory_space<vmem>>
    %dma_start3A_583 = tpu.memref_squeeze %dma_start3A_582 : memref<1x16x2048xf32, #tpu.memory_space<vmem>> -> memref<16x2048xf32, #tpu.memory_space<vmem>>
    %dma_start3A_584 = arith.constant 0 : i32
    %dma_start3A_585 = tpu.memref_slice %arg3[%add3A_578, %dma_start3A_584] : memref<16384x2048xf32, #tpu.memory_space<hbm>> -> memref<16x2048xf32, #tpu.memory_space<hbm>>
    %dma_start3A_586 = arith.constant 0 : i32
    %dma_start3A_587 = tpu.memref_slice %arg3[%add3A_578, %dma_start3A_586] : memref<16384x2048xf32, #tpu.memory_space<hbm>> -> memref<16x2048xf32, #tpu.memory_space<hbm>>
    %dma_start3A_588 = arith.constant 0 : i32
    %dma_start3A_589 = arith.constant 0 : i32
    %dma_start3A_590 = tpu.memref_slice %arg4[%dma_start3A_579, %dma_start3A_588, %dma_start3A_589] : memref<2x16x2048xf32, #tpu.memory_space<vmem>> -> memref<1x16x2048xf32, #tpu.memory_space<vmem>>
    %dma_start3A_591 = tpu.memref_squeeze %dma_start3A_590 : memref<1x16x2048xf32, #tpu.memory_space<vmem>> -> memref<16x2048xf32, #tpu.memory_space<vmem>>
    tpu.enqueue_dma source(%dma_start3A_591 : memref<16x2048xf32, #tpu.memory_space<vmem>>) target(%dma_start3A_587 : memref<16x2048xf32, #tpu.memory_space<hbm>>) target_semaphore(%arg6 : memref<!tpu.dma_semaphore, #tpu.memory_space<semaphore_mem>>)
    %add3A_592 = arith.constant 12288 : i32
    %add3A_593 = arith.addi %add3A_592, %add3A_546 : i32
    %dma_start3A_594 = arith.constant 0 : i32
    %dma_start3A_595 = arith.constant 0 : i32
    %dma_start3A_596 = arith.constant 0 : i32
    %dma_start3A_597 = tpu.memref_slice %arg4[%dma_start3A_594, %dma_start3A_595, %dma_start3A_596] : memref<2x16x2048xf32, #tpu.memory_space<vmem>> -> memref<1x16x2048xf32, #tpu.memory_space<vmem>>
    %dma_start3A_598 = tpu.memref_squeeze %dma_start3A_597 : memref<1x16x2048xf32, #tpu.memory_space<vmem>> -> memref<16x2048xf32, #tpu.memory_space<vmem>>
    %dma_start3A_599 = arith.constant 0 : i32
    %dma_start3A_600 = tpu.memref_slice %arg3[%add3A_593, %dma_start3A_599] : memref<16384x2048xf32, #tpu.memory_space<hbm>> -> memref<16x2048xf32, #tpu.memory_space<hbm>>
    %dma_start3A_601 = arith.constant 0 : i32
    %dma_start3A_602 = tpu.memref_slice %arg3[%add3A_593, %dma_start3A_601] : memref<16384x2048xf32, #tpu.memory_space<hbm>> -> memref<16x2048xf32, #tpu.memory_space<hbm>>
    %dma_start3A_603 = arith.constant 0 : i32
    %dma_start3A_604 = arith.constant 0 : i32
    %dma_start3A_605 = tpu.memref_slice %arg4[%dma_start3A_594, %dma_start3A_603, %dma_start3A_604] : memref<2x16x2048xf32, #tpu.memory_space<vmem>> -> memref<1x16x2048xf32, #tpu.memory_space<vmem>>
    %dma_start3A_606 = tpu.memref_squeeze %dma_start3A_605 : memref<1x16x2048xf32, #tpu.memory_space<vmem>> -> memref<16x2048xf32, #tpu.memory_space<vmem>>
    tpu.enqueue_dma source(%dma_start3A_606 : memref<16x2048xf32, #tpu.memory_space<vmem>>) target(%dma_start3A_602 : memref<16x2048xf32, #tpu.memory_space<hbm>>) target_semaphore(%arg6 : memref<!tpu.dma_semaphore, #tpu.memory_space<semaphore_mem>>)
    %dma_wait3A_607 = arith.constant 1 : i32
    %dma_wait3A_608 = arith.constant 0 : i32
    %dma_wait3A_609 = arith.constant 0 : i32
    %dma_wait3A_610 = tpu.memref_slice %arg4[%dma_wait3A_607, %dma_wait3A_608, %dma_wait3A_609] : memref<2x16x2048xf32, #tpu.memory_space<vmem>> -> memref<1x16x2048xf32, #tpu.memory_space<vmem>>
    %dma_wait3A_611 = tpu.memref_squeeze %dma_wait3A_610 : memref<1x16x2048xf32, #tpu.memory_space<vmem>> -> memref<16x2048xf32, #tpu.memory_space<vmem>>
    %dma_wait3A_612 = arith.constant 0 : i32
    %dma_wait3A_613 = tpu.memref_slice %arg3[%add3A_406, %dma_wait3A_612] : memref<16384x2048xf32, #tpu.memory_space<hbm>> -> memref<16x2048xf32, #tpu.memory_space<hbm>>
    %dma_wait3A_614 = arith.constant 0 : i32
    %dma_wait3A_615 = tpu.memref_slice %arg3[%add3A_406, %dma_wait3A_614] : memref<16384x2048xf32, #tpu.memory_space<hbm>> -> memref<16x2048xf32, #tpu.memory_space<hbm>>
    %dma_wait3A_616 = arith.constant 0 : i32
    %dma_wait3A_617 = arith.constant 0 : i32
    %dma_wait3A_618 = tpu.memref_slice %arg4[%dma_wait3A_607, %dma_wait3A_616, %dma_wait3A_617] : memref<2x16x2048xf32, #tpu.memory_space<vmem>> -> memref<1x16x2048xf32, #tpu.memory_space<vmem>>
    %dma_wait3A_619 = tpu.memref_squeeze %dma_wait3A_618 : memref<1x16x2048xf32, #tpu.memory_space<vmem>> -> memref<16x2048xf32, #tpu.memory_space<vmem>>
    tpu.wait_dma2 semaphore(%arg6 : memref<!tpu.dma_semaphore, #tpu.memory_space<semaphore_mem>>) src(%dma_wait3A_619 : memref<16x2048xf32, #tpu.memory_space<vmem>>) dst(%dma_wait3A_615 : memref<16x2048xf32, #tpu.memory_space<hbm>>)
    %dma_wait3A_620 = arith.constant 1 : i32
    %dma_wait3A_621 = arith.constant 0 : i32
    %dma_wait3A_622 = arith.constant 0 : i32
    %dma_wait3A_623 = tpu.memref_slice %arg4[%dma_wait3A_620, %dma_wait3A_621, %dma_wait3A_622] : memref<2x16x2048xf32, #tpu.memory_space<vmem>> -> memref<1x16x2048xf32, #tpu.memory_space<vmem>>
    %dma_wait3A_624 = tpu.memref_squeeze %dma_wait3A_623 : memref<1x16x2048xf32, #tpu.memory_space<vmem>> -> memref<16x2048xf32, #tpu.memory_space<vmem>>
    %dma_wait3A_625 = arith.constant 0 : i32
    %dma_wait3A_626 = tpu.memref_slice %arg3[%add3A_421, %dma_wait3A_625] : memref<16384x2048xf32, #tpu.memory_space<hbm>> -> memref<16x2048xf32, #tpu.memory_space<hbm>>
    %dma_wait3A_627 = arith.constant 0 : i32
    %dma_wait3A_628 = tpu.memref_slice %arg3[%add3A_421, %dma_wait3A_627] : memref<16384x2048xf32, #tpu.memory_space<hbm>> -> memref<16x2048xf32, #tpu.memory_space<hbm>>
    %dma_wait3A_629 = arith.constant 0 : i32
    %dma_wait3A_630 = arith.constant 0 : i32
    %dma_wait3A_631 = tpu.memref_slice %arg4[%dma_wait3A_620, %dma_wait3A_629, %dma_wait3A_630] : memref<2x16x2048xf32, #tpu.memory_space<vmem>> -> memref<1x16x2048xf32, #tpu.memory_space<vmem>>
    %dma_wait3A_632 = tpu.memref_squeeze %dma_wait3A_631 : memref<1x16x2048xf32, #tpu.memory_space<vmem>> -> memref<16x2048xf32, #tpu.memory_space<vmem>>
    tpu.wait_dma2 semaphore(%arg6 : memref<!tpu.dma_semaphore, #tpu.memory_space<semaphore_mem>>) src(%dma_wait3A_632 : memref<16x2048xf32, #tpu.memory_space<vmem>>) dst(%dma_wait3A_628 : memref<16x2048xf32, #tpu.memory_space<hbm>>)
    %dma_wait3A_633 = arith.constant 1 : i32
    %dma_wait3A_634 = arith.constant 0 : i32
    %dma_wait3A_635 = arith.constant 0 : i32
    %dma_wait3A_636 = tpu.memref_slice %arg4[%dma_wait3A_633, %dma_wait3A_634, %dma_wait3A_635] : memref<2x16x2048xf32, #tpu.memory_space<vmem>> -> memref<1x16x2048xf32, #tpu.memory_space<vmem>>
    %dma_wait3A_637 = tpu.memref_squeeze %dma_wait3A_636 : memref<1x16x2048xf32, #tpu.memory_space<vmem>> -> memref<16x2048xf32, #tpu.memory_space<vmem>>
    %dma_wait3A_638 = arith.constant 0 : i32
    %dma_wait3A_639 = tpu.memref_slice %arg3[%add3A_436, %dma_wait3A_638] : memref<16384x2048xf32, #tpu.memory_space<hbm>> -> memref<16x2048xf32, #tpu.memory_space<hbm>>
    %dma_wait3A_640 = arith.constant 0 : i32
    %dma_wait3A_641 = tpu.memref_slice %arg3[%add3A_436, %dma_wait3A_640] : memref<16384x2048xf32, #tpu.memory_space<hbm>> -> memref<16x2048xf32, #tpu.memory_space<hbm>>
    %dma_wait3A_642 = arith.constant 0 : i32
    %dma_wait3A_643 = arith.constant 0 : i32
    %dma_wait3A_644 = tpu.memref_slice %arg4[%dma_wait3A_633, %dma_wait3A_642, %dma_wait3A_643] : memref<2x16x2048xf32, #tpu.memory_space<vmem>> -> memref<1x16x2048xf32, #tpu.memory_space<vmem>>
    %dma_wait3A_645 = tpu.memref_squeeze %dma_wait3A_644 : memref<1x16x2048xf32, #tpu.memory_space<vmem>> -> memref<16x2048xf32, #tpu.memory_space<vmem>>
    tpu.wait_dma2 semaphore(%arg6 : memref<!tpu.dma_semaphore, #tpu.memory_space<semaphore_mem>>) src(%dma_wait3A_645 : memref<16x2048xf32, #tpu.memory_space<vmem>>) dst(%dma_wait3A_641 : memref<16x2048xf32, #tpu.memory_space<hbm>>)
    %dma_wait3A_646 = arith.constant 1 : i32
    %dma_wait3A_647 = arith.constant 0 : i32
    %dma_wait3A_648 = arith.constant 0 : i32
    %dma_wait3A_649 = tpu.memref_slice %arg4[%dma_wait3A_646, %dma_wait3A_647, %dma_wait3A_648] : memref<2x16x2048xf32, #tpu.memory_space<vmem>> -> memref<1x16x2048xf32, #tpu.memory_space<vmem>>
    %dma_wait3A_650 = tpu.memref_squeeze %dma_wait3A_649 : memref<1x16x2048xf32, #tpu.memory_space<vmem>> -> memref<16x2048xf32, #tpu.memory_space<vmem>>
    %dma_wait3A_651 = arith.constant 0 : i32
    %dma_wait3A_652 = tpu.memref_slice %arg3[%add3A_451, %dma_wait3A_651] : memref<16384x2048xf32, #tpu.memory_space<hbm>> -> memref<16x2048xf32, #tpu.memory_space<hbm>>
    %dma_wait3A_653 = arith.constant 0 : i32
    %dma_wait3A_654 = tpu.memref_slice %arg3[%add3A_451, %dma_wait3A_653] : memref<16384x2048xf32, #tpu.memory_space<hbm>> -> memref<16x2048xf32, #tpu.memory_space<hbm>>
    %dma_wait3A_655 = arith.constant 0 : i32
    %dma_wait3A_656 = arith.constant 0 : i32
    %dma_wait3A_657 = tpu.memref_slice %arg4[%dma_wait3A_646, %dma_wait3A_655, %dma_wait3A_656] : memref<2x16x2048xf32, #tpu.memory_space<vmem>> -> memref<1x16x2048xf32, #tpu.memory_space<vmem>>
    %dma_wait3A_658 = tpu.memref_squeeze %dma_wait3A_657 : memref<1x16x2048xf32, #tpu.memory_space<vmem>> -> memref<16x2048xf32, #tpu.memory_space<vmem>>
    tpu.wait_dma2 semaphore(%arg6 : memref<!tpu.dma_semaphore, #tpu.memory_space<semaphore_mem>>) src(%dma_wait3A_658 : memref<16x2048xf32, #tpu.memory_space<vmem>>) dst(%dma_wait3A_654 : memref<16x2048xf32, #tpu.memory_space<hbm>>)
    %add3A_659 = arith.constant 80 : i32
    %add3A_660 = arith.addi %mul3A_2, %add3A_659 : i32
    %dma_start3A_661 = arith.constant 1 : i32
    %dma_start3A_662 = arith.constant 0 : i32
    %dma_start3A_663 = arith.constant 0 : i32
    %dma_start3A_664 = tpu.memref_slice %arg4[%dma_start3A_661, %dma_start3A_662, %dma_start3A_663] : memref<2x16x2048xf32, #tpu.memory_space<vmem>> -> memref<1x16x2048xf32, #tpu.memory_space<vmem>>
    %dma_start3A_665 = tpu.memref_squeeze %dma_start3A_664 : memref<1x16x2048xf32, #tpu.memory_space<vmem>> -> memref<16x2048xf32, #tpu.memory_space<vmem>>
    %dma_start3A_666 = arith.constant 0 : i32
    %dma_start3A_667 = tpu.memref_slice %arg2[%add3A_660, %dma_start3A_666] : memref<8192x2048xf32, #tpu.memory_space<hbm>> -> memref<16x2048xf32, #tpu.memory_space<hbm>>
    %dma_start3A_668 = arith.constant 0 : i32
    %dma_start3A_669 = arith.constant 0 : i32
    %dma_start3A_670 = tpu.memref_slice %arg4[%dma_start3A_661, %dma_start3A_668, %dma_start3A_669] : memref<2x16x2048xf32, #tpu.memory_space<vmem>> -> memref<1x16x2048xf32, #tpu.memory_space<vmem>>
    %dma_start3A_671 = tpu.memref_squeeze %dma_start3A_670 : memref<1x16x2048xf32, #tpu.memory_space<vmem>> -> memref<16x2048xf32, #tpu.memory_space<vmem>>
    %dma_start3A_672 = arith.constant 0 : i32
    %dma_start3A_673 = tpu.memref_slice %arg2[%add3A_660, %dma_start3A_672] : memref<8192x2048xf32, #tpu.memory_space<hbm>> -> memref<16x2048xf32, #tpu.memory_space<hbm>>
    tpu.enqueue_dma source(%dma_start3A_673 : memref<16x2048xf32, #tpu.memory_space<hbm>>) target(%dma_start3A_671 : memref<16x2048xf32, #tpu.memory_space<vmem>>) target_semaphore(%arg5 : memref<!tpu.dma_semaphore, #tpu.memory_space<semaphore_mem>>)
    %dma_wait3A_674 = arith.constant 1 : i32
    %dma_wait3A_675 = arith.constant 0 : i32
    %dma_wait3A_676 = arith.constant 0 : i32
    %dma_wait3A_677 = tpu.memref_slice %arg4[%dma_wait3A_674, %dma_wait3A_675, %dma_wait3A_676] : memref<2x16x2048xf32, #tpu.memory_space<vmem>> -> memref<1x16x2048xf32, #tpu.memory_space<vmem>>
    %dma_wait3A_678 = tpu.memref_squeeze %dma_wait3A_677 : memref<1x16x2048xf32, #tpu.memory_space<vmem>> -> memref<16x2048xf32, #tpu.memory_space<vmem>>
    %dma_wait3A_679 = arith.constant 0 : i32
    %dma_wait3A_680 = tpu.memref_slice %arg2[%add3A_660, %dma_wait3A_679] : memref<8192x2048xf32, #tpu.memory_space<hbm>> -> memref<16x2048xf32, #tpu.memory_space<hbm>>
    %dma_wait3A_681 = arith.constant 0 : i32
    %dma_wait3A_682 = arith.constant 0 : i32
    %dma_wait3A_683 = tpu.memref_slice %arg4[%dma_wait3A_674, %dma_wait3A_681, %dma_wait3A_682] : memref<2x16x2048xf32, #tpu.memory_space<vmem>> -> memref<1x16x2048xf32, #tpu.memory_space<vmem>>
    %dma_wait3A_684 = tpu.memref_squeeze %dma_wait3A_683 : memref<1x16x2048xf32, #tpu.memory_space<vmem>> -> memref<16x2048xf32, #tpu.memory_space<vmem>>
    %dma_wait3A_685 = arith.constant 0 : i32
    %dma_wait3A_686 = tpu.memref_slice %arg2[%add3A_660, %dma_wait3A_685] : memref<8192x2048xf32, #tpu.memory_space<hbm>> -> memref<16x2048xf32, #tpu.memory_space<hbm>>
    tpu.wait_dma2 semaphore(%arg5 : memref<!tpu.dma_semaphore, #tpu.memory_space<semaphore_mem>>) src(%dma_wait3A_686 : memref<16x2048xf32, #tpu.memory_space<hbm>>) dst(%dma_wait3A_684 : memref<16x2048xf32, #tpu.memory_space<vmem>>)
    %add3A_687 = arith.constant 80 : i32
    %add3A_688 = arith.addi %mul3A_2, %add3A_687 : i32
    %add3A_689 = arith.constant 0 : i32
    %add3A_690 = arith.addi %add3A_689, %add3A_688 : i32
    %dma_start3A_691 = arith.constant 1 : i32
    %dma_start3A_692 = arith.constant 0 : i32
    %dma_start3A_693 = arith.constant 0 : i32
    %dma_start3A_694 = tpu.memref_slice %arg4[%dma_start3A_691, %dma_start3A_692, %dma_start3A_693] : memref<2x16x2048xf32, #tpu.memory_space<vmem>> -> memref<1x16x2048xf32, #tpu.memory_space<vmem>>
    %dma_start3A_695 = tpu.memref_squeeze %dma_start3A_694 : memref<1x16x2048xf32, #tpu.memory_space<vmem>> -> memref<16x2048xf32, #tpu.memory_space<vmem>>
    %dma_start3A_696 = arith.constant 0 : i32
    %dma_start3A_697 = tpu.memref_slice %arg3[%add3A_690, %dma_start3A_696] : memref<16384x2048xf32, #tpu.memory_space<hbm>> -> memref<16x2048xf32, #tpu.memory_space<hbm>>
    %dma_start3A_698 = arith.constant 0 : i32
    %dma_start3A_699 = tpu.memref_slice %arg3[%add3A_690, %dma_start3A_698] : memref<16384x2048xf32, #tpu.memory_space<hbm>> -> memref<16x2048xf32, #tpu.memory_space<hbm>>
    %dma_start3A_700 = arith.constant 0 : i32
    %dma_start3A_701 = arith.constant 0 : i32
    %dma_start3A_702 = tpu.memref_slice %arg4[%dma_start3A_691, %dma_start3A_700, %dma_start3A_701] : memref<2x16x2048xf32, #tpu.memory_space<vmem>> -> memref<1x16x2048xf32, #tpu.memory_space<vmem>>
    %dma_start3A_703 = tpu.memref_squeeze %dma_start3A_702 : memref<1x16x2048xf32, #tpu.memory_space<vmem>> -> memref<16x2048xf32, #tpu.memory_space<vmem>>
    tpu.enqueue_dma source(%dma_start3A_703 : memref<16x2048xf32, #tpu.memory_space<vmem>>) target(%dma_start3A_699 : memref<16x2048xf32, #tpu.memory_space<hbm>>) target_semaphore(%arg6 : memref<!tpu.dma_semaphore, #tpu.memory_space<semaphore_mem>>)
    %add3A_704 = arith.constant 4096 : i32
    %add3A_705 = arith.addi %add3A_704, %add3A_688 : i32
    %dma_start3A_706 = arith.constant 1 : i32
    %dma_start3A_707 = arith.constant 0 : i32
    %dma_start3A_708 = arith.constant 0 : i32
    %dma_start3A_709 = tpu.memref_slice %arg4[%dma_start3A_706, %dma_start3A_707, %dma_start3A_708] : memref<2x16x2048xf32, #tpu.memory_space<vmem>> -> memref<1x16x2048xf32, #tpu.memory_space<vmem>>
    %dma_start3A_710 = tpu.memref_squeeze %dma_start3A_709 : memref<1x16x2048xf32, #tpu.memory_space<vmem>> -> memref<16x2048xf32, #tpu.memory_space<vmem>>
    %dma_start3A_711 = arith.constant 0 : i32
    %dma_start3A_712 = tpu.memref_slice %arg3[%add3A_705, %dma_start3A_711] : memref<16384x2048xf32, #tpu.memory_space<hbm>> -> memref<16x2048xf32, #tpu.memory_space<hbm>>
    %dma_start3A_713 = arith.constant 0 : i32
    %dma_start3A_714 = tpu.memref_slice %arg3[%add3A_705, %dma_start3A_713] : memref<16384x2048xf32, #tpu.memory_space<hbm>> -> memref<16x2048xf32, #tpu.memory_space<hbm>>
    %dma_start3A_715 = arith.constant 0 : i32
    %dma_start3A_716 = arith.constant 0 : i32
    %dma_start3A_717 = tpu.memref_slice %arg4[%dma_start3A_706, %dma_start3A_715, %dma_start3A_716] : memref<2x16x2048xf32, #tpu.memory_space<vmem>> -> memref<1x16x2048xf32, #tpu.memory_space<vmem>>
    %dma_start3A_718 = tpu.memref_squeeze %dma_start3A_717 : memref<1x16x2048xf32, #tpu.memory_space<vmem>> -> memref<16x2048xf32, #tpu.memory_space<vmem>>
    tpu.enqueue_dma source(%dma_start3A_718 : memref<16x2048xf32, #tpu.memory_space<vmem>>) target(%dma_start3A_714 : memref<16x2048xf32, #tpu.memory_space<hbm>>) target_semaphore(%arg6 : memref<!tpu.dma_semaphore, #tpu.memory_space<semaphore_mem>>)
    %add3A_719 = arith.constant 8192 : i32
    %add3A_720 = arith.addi %add3A_719, %add3A_688 : i32
    %dma_start3A_721 = arith.constant 1 : i32
    %dma_start3A_722 = arith.constant 0 : i32
    %dma_start3A_723 = arith.constant 0 : i32
    %dma_start3A_724 = tpu.memref_slice %arg4[%dma_start3A_721, %dma_start3A_722, %dma_start3A_723] : memref<2x16x2048xf32, #tpu.memory_space<vmem>> -> memref<1x16x2048xf32, #tpu.memory_space<vmem>>
    %dma_start3A_725 = tpu.memref_squeeze %dma_start3A_724 : memref<1x16x2048xf32, #tpu.memory_space<vmem>> -> memref<16x2048xf32, #tpu.memory_space<vmem>>
    %dma_start3A_726 = arith.constant 0 : i32
    %dma_start3A_727 = tpu.memref_slice %arg3[%add3A_720, %dma_start3A_726] : memref<16384x2048xf32, #tpu.memory_space<hbm>> -> memref<16x2048xf32, #tpu.memory_space<hbm>>
    %dma_start3A_728 = arith.constant 0 : i32
    %dma_start3A_729 = tpu.memref_slice %arg3[%add3A_720, %dma_start3A_728] : memref<16384x2048xf32, #tpu.memory_space<hbm>> -> memref<16x2048xf32, #tpu.memory_space<hbm>>
    %dma_start3A_730 = arith.constant 0 : i32
    %dma_start3A_731 = arith.constant 0 : i32
    %dma_start3A_732 = tpu.memref_slice %arg4[%dma_start3A_721, %dma_start3A_730, %dma_start3A_731] : memref<2x16x2048xf32, #tpu.memory_space<vmem>> -> memref<1x16x2048xf32, #tpu.memory_space<vmem>>
    %dma_start3A_733 = tpu.memref_squeeze %dma_start3A_732 : memref<1x16x2048xf32, #tpu.memory_space<vmem>> -> memref<16x2048xf32, #tpu.memory_space<vmem>>
    tpu.enqueue_dma source(%dma_start3A_733 : memref<16x2048xf32, #tpu.memory_space<vmem>>) target(%dma_start3A_729 : memref<16x2048xf32, #tpu.memory_space<hbm>>) target_semaphore(%arg6 : memref<!tpu.dma_semaphore, #tpu.memory_space<semaphore_mem>>)
    %add3A_734 = arith.constant 12288 : i32
    %add3A_735 = arith.addi %add3A_734, %add3A_688 : i32
    %dma_start3A_736 = arith.constant 1 : i32
    %dma_start3A_737 = arith.constant 0 : i32
    %dma_start3A_738 = arith.constant 0 : i32
    %dma_start3A_739 = tpu.memref_slice %arg4[%dma_start3A_736, %dma_start3A_737, %dma_start3A_738] : memref<2x16x2048xf32, #tpu.memory_space<vmem>> -> memref<1x16x2048xf32, #tpu.memory_space<vmem>>
    %dma_start3A_740 = tpu.memref_squeeze %dma_start3A_739 : memref<1x16x2048xf32, #tpu.memory_space<vmem>> -> memref<16x2048xf32, #tpu.memory_space<vmem>>
    %dma_start3A_741 = arith.constant 0 : i32
    %dma_start3A_742 = tpu.memref_slice %arg3[%add3A_735, %dma_start3A_741] : memref<16384x2048xf32, #tpu.memory_space<hbm>> -> memref<16x2048xf32, #tpu.memory_space<hbm>>
    %dma_start3A_743 = arith.constant 0 : i32
    %dma_start3A_744 = tpu.memref_slice %arg3[%add3A_735, %dma_start3A_743] : memref<16384x2048xf32, #tpu.memory_space<hbm>> -> memref<16x2048xf32, #tpu.memory_space<hbm>>
    %dma_start3A_745 = arith.constant 0 : i32
    %dma_start3A_746 = arith.constant 0 : i32
    %dma_start3A_747 = tpu.memref_slice %arg4[%dma_start3A_736, %dma_start3A_745, %dma_start3A_746] : memref<2x16x2048xf32, #tpu.memory_space<vmem>> -> memref<1x16x2048xf32, #tpu.memory_space<vmem>>
    %dma_start3A_748 = tpu.memref_squeeze %dma_start3A_747 : memref<1x16x2048xf32, #tpu.memory_space<vmem>> -> memref<16x2048xf32, #tpu.memory_space<vmem>>
    tpu.enqueue_dma source(%dma_start3A_748 : memref<16x2048xf32, #tpu.memory_space<vmem>>) target(%dma_start3A_744 : memref<16x2048xf32, #tpu.memory_space<hbm>>) target_semaphore(%arg6 : memref<!tpu.dma_semaphore, #tpu.memory_space<semaphore_mem>>)
    %dma_wait3A_749 = arith.constant 0 : i32
    %dma_wait3A_750 = arith.constant 0 : i32
    %dma_wait3A_751 = arith.constant 0 : i32
    %dma_wait3A_752 = tpu.memref_slice %arg4[%dma_wait3A_749, %dma_wait3A_750, %dma_wait3A_751] : memref<2x16x2048xf32, #tpu.memory_space<vmem>> -> memref<1x16x2048xf32, #tpu.memory_space<vmem>>
    %dma_wait3A_753 = tpu.memref_squeeze %dma_wait3A_752 : memref<1x16x2048xf32, #tpu.memory_space<vmem>> -> memref<16x2048xf32, #tpu.memory_space<vmem>>
    %dma_wait3A_754 = arith.constant 0 : i32
    %dma_wait3A_755 = tpu.memref_slice %arg3[%add3A_548, %dma_wait3A_754] : memref<16384x2048xf32, #tpu.memory_space<hbm>> -> memref<16x2048xf32, #tpu.memory_space<hbm>>
    %dma_wait3A_756 = arith.constant 0 : i32
    %dma_wait3A_757 = tpu.memref_slice %arg3[%add3A_548, %dma_wait3A_756] : memref<16384x2048xf32, #tpu.memory_space<hbm>> -> memref<16x2048xf32, #tpu.memory_space<hbm>>
    %dma_wait3A_758 = arith.constant 0 : i32
    %dma_wait3A_759 = arith.constant 0 : i32
    %dma_wait3A_760 = tpu.memref_slice %arg4[%dma_wait3A_749, %dma_wait3A_758, %dma_wait3A_759] : memref<2x16x2048xf32, #tpu.memory_space<vmem>> -> memref<1x16x2048xf32, #tpu.memory_space<vmem>>
    %dma_wait3A_761 = tpu.memref_squeeze %dma_wait3A_760 : memref<1x16x2048xf32, #tpu.memory_space<vmem>> -> memref<16x2048xf32, #tpu.memory_space<vmem>>
    tpu.wait_dma2 semaphore(%arg6 : memref<!tpu.dma_semaphore, #tpu.memory_space<semaphore_mem>>) src(%dma_wait3A_761 : memref<16x2048xf32, #tpu.memory_space<vmem>>) dst(%dma_wait3A_757 : memref<16x2048xf32, #tpu.memory_space<hbm>>)
    %dma_wait3A_762 = arith.constant 0 : i32
    %dma_wait3A_763 = arith.constant 0 : i32
    %dma_wait3A_764 = arith.constant 0 : i32
    %dma_wait3A_765 = tpu.memref_slice %arg4[%dma_wait3A_762, %dma_wait3A_763, %dma_wait3A_764] : memref<2x16x2048xf32, #tpu.memory_space<vmem>> -> memref<1x16x2048xf32, #tpu.memory_space<vmem>>
    %dma_wait3A_766 = tpu.memref_squeeze %dma_wait3A_765 : memref<1x16x2048xf32, #tpu.memory_space<vmem>> -> memref<16x2048xf32, #tpu.memory_space<vmem>>
    %dma_wait3A_767 = arith.constant 0 : i32
    %dma_wait3A_768 = tpu.memref_slice %arg3[%add3A_563, %dma_wait3A_767] : memref<16384x2048xf32, #tpu.memory_space<hbm>> -> memref<16x2048xf32, #tpu.memory_space<hbm>>
    %dma_wait3A_769 = arith.constant 0 : i32
    %dma_wait3A_770 = tpu.memref_slice %arg3[%add3A_563, %dma_wait3A_769] : memref<16384x2048xf32, #tpu.memory_space<hbm>> -> memref<16x2048xf32, #tpu.memory_space<hbm>>
    %dma_wait3A_771 = arith.constant 0 : i32
    %dma_wait3A_772 = arith.constant 0 : i32
    %dma_wait3A_773 = tpu.memref_slice %arg4[%dma_wait3A_762, %dma_wait3A_771, %dma_wait3A_772] : memref<2x16x2048xf32, #tpu.memory_space<vmem>> -> memref<1x16x2048xf32, #tpu.memory_space<vmem>>
    %dma_wait3A_774 = tpu.memref_squeeze %dma_wait3A_773 : memref<1x16x2048xf32, #tpu.memory_space<vmem>> -> memref<16x2048xf32, #tpu.memory_space<vmem>>
    tpu.wait_dma2 semaphore(%arg6 : memref<!tpu.dma_semaphore, #tpu.memory_space<semaphore_mem>>) src(%dma_wait3A_774 : memref<16x2048xf32, #tpu.memory_space<vmem>>) dst(%dma_wait3A_770 : memref<16x2048xf32, #tpu.memory_space<hbm>>)
    %dma_wait3A_775 = arith.constant 0 : i32
    %dma_wait3A_776 = arith.constant 0 : i32
    %dma_wait3A_777 = arith.constant 0 : i32
    %dma_wait3A_778 = tpu.memref_slice %arg4[%dma_wait3A_775, %dma_wait3A_776, %dma_wait3A_777] : memref<2x16x2048xf32, #tpu.memory_space<vmem>> -> memref<1x16x2048xf32, #tpu.memory_space<vmem>>
    %dma_wait3A_779 = tpu.memref_squeeze %dma_wait3A_778 : memref<1x16x2048xf32, #tpu.memory_space<vmem>> -> memref<16x2048xf32, #tpu.memory_space<vmem>>
    %dma_wait3A_780 = arith.constant 0 : i32
    %dma_wait3A_781 = tpu.memref_slice %arg3[%add3A_578, %dma_wait3A_780] : memref<16384x2048xf32, #tpu.memory_space<hbm>> -> memref<16x2048xf32, #tpu.memory_space<hbm>>
    %dma_wait3A_782 = arith.constant 0 : i32
    %dma_wait3A_783 = tpu.memref_slice %arg3[%add3A_578, %dma_wait3A_782] : memref<16384x2048xf32, #tpu.memory_space<hbm>> -> memref<16x2048xf32, #tpu.memory_space<hbm>>
    %dma_wait3A_784 = arith.constant 0 : i32
    %dma_wait3A_785 = arith.constant 0 : i32
    %dma_wait3A_786 = tpu.memref_slice %arg4[%dma_wait3A_775, %dma_wait3A_784, %dma_wait3A_785] : memref<2x16x2048xf32, #tpu.memory_space<vmem>> -> memref<1x16x2048xf32, #tpu.memory_space<vmem>>
    %dma_wait3A_787 = tpu.memref_squeeze %dma_wait3A_786 : memref<1x16x2048xf32, #tpu.memory_space<vmem>> -> memref<16x2048xf32, #tpu.memory_space<vmem>>
    tpu.wait_dma2 semaphore(%arg6 : memref<!tpu.dma_semaphore, #tpu.memory_space<semaphore_mem>>) src(%dma_wait3A_787 : memref<16x2048xf32, #tpu.memory_space<vmem>>) dst(%dma_wait3A_783 : memref<16x2048xf32, #tpu.memory_space<hbm>>)
    %dma_wait3A_788 = arith.constant 0 : i32
    %dma_wait3A_789 = arith.constant 0 : i32
    %dma_wait3A_790 = arith.constant 0 : i32
    %dma_wait3A_791 = tpu.memref_slice %arg4[%dma_wait3A_788, %dma_wait3A_789, %dma_wait3A_790] : memref<2x16x2048xf32, #tpu.memory_space<vmem>> -> memref<1x16x2048xf32, #tpu.memory_space<vmem>>
    %dma_wait3A_792 = tpu.memref_squeeze %dma_wait3A_791 : memref<1x16x2048xf32, #tpu.memory_space<vmem>> -> memref<16x2048xf32, #tpu.memory_space<vmem>>
    %dma_wait3A_793 = arith.constant 0 : i32
    %dma_wait3A_794 = tpu.memref_slice %arg3[%add3A_593, %dma_wait3A_793] : memref<16384x2048xf32, #tpu.memory_space<hbm>> -> memref<16x2048xf32, #tpu.memory_space<hbm>>
    %dma_wait3A_795 = arith.constant 0 : i32
    %dma_wait3A_796 = tpu.memref_slice %arg3[%add3A_593, %dma_wait3A_795] : memref<16384x2048xf32, #tpu.memory_space<hbm>> -> memref<16x2048xf32, #tpu.memory_space<hbm>>
    %dma_wait3A_797 = arith.constant 0 : i32
    %dma_wait3A_798 = arith.constant 0 : i32
    %dma_wait3A_799 = tpu.memref_slice %arg4[%dma_wait3A_788, %dma_wait3A_797, %dma_wait3A_798] : memref<2x16x2048xf32, #tpu.memory_space<vmem>> -> memref<1x16x2048xf32, #tpu.memory_space<vmem>>
    %dma_wait3A_800 = tpu.memref_squeeze %dma_wait3A_799 : memref<1x16x2048xf32, #tpu.memory_space<vmem>> -> memref<16x2048xf32, #tpu.memory_space<vmem>>
    tpu.wait_dma2 semaphore(%arg6 : memref<!tpu.dma_semaphore, #tpu.memory_space<semaphore_mem>>) src(%dma_wait3A_800 : memref<16x2048xf32, #tpu.memory_space<vmem>>) dst(%dma_wait3A_796 : memref<16x2048xf32, #tpu.memory_space<hbm>>)
    %add3A_801 = arith.constant 96 : i32
    %add3A_802 = arith.addi %mul3A_2, %add3A_801 : i32
    %dma_start3A_803 = arith.constant 0 : i32
    %dma_start3A_804 = arith.constant 0 : i32
    %dma_start3A_805 = arith.constant 0 : i32
    %dma_start3A_806 = tpu.memref_slice %arg4[%dma_start3A_803, %dma_start3A_804, %dma_start3A_805] : memref<2x16x2048xf32, #tpu.memory_space<vmem>> -> memref<1x16x2048xf32, #tpu.memory_space<vmem>>
    %dma_start3A_807 = tpu.memref_squeeze %dma_start3A_806 : memref<1x16x2048xf32, #tpu.memory_space<vmem>> -> memref<16x2048xf32, #tpu.memory_space<vmem>>
    %dma_start3A_808 = arith.constant 0 : i32
    %dma_start3A_809 = tpu.memref_slice %arg2[%add3A_802, %dma_start3A_808] : memref<8192x2048xf32, #tpu.memory_space<hbm>> -> memref<16x2048xf32, #tpu.memory_space<hbm>>
    %dma_start3A_810 = arith.constant 0 : i32
    %dma_start3A_811 = arith.constant 0 : i32
    %dma_start3A_812 = tpu.memref_slice %arg4[%dma_start3A_803, %dma_start3A_810, %dma_start3A_811] : memref<2x16x2048xf32, #tpu.memory_space<vmem>> -> memref<1x16x2048xf32, #tpu.memory_space<vmem>>
    %dma_start3A_813 = tpu.memref_squeeze %dma_start3A_812 : memref<1x16x2048xf32, #tpu.memory_space<vmem>> -> memref<16x2048xf32, #tpu.memory_space<vmem>>
    %dma_start3A_814 = arith.constant 0 : i32
    %dma_start3A_815 = tpu.memref_slice %arg2[%add3A_802, %dma_start3A_814] : memref<8192x2048xf32, #tpu.memory_space<hbm>> -> memref<16x2048xf32, #tpu.memory_space<hbm>>
    tpu.enqueue_dma source(%dma_start3A_815 : memref<16x2048xf32, #tpu.memory_space<hbm>>) target(%dma_start3A_813 : memref<16x2048xf32, #tpu.memory_space<vmem>>) target_semaphore(%arg5 : memref<!tpu.dma_semaphore, #tpu.memory_space<semaphore_mem>>)
    %dma_wait3A_816 = arith.constant 0 : i32
    %dma_wait3A_817 = arith.constant 0 : i32
    %dma_wait3A_818 = arith.constant 0 : i32
    %dma_wait3A_819 = tpu.memref_slice %arg4[%dma_wait3A_816, %dma_wait3A_817, %dma_wait3A_818] : memref<2x16x2048xf32, #tpu.memory_space<vmem>> -> memref<1x16x2048xf32, #tpu.memory_space<vmem>>
    %dma_wait3A_820 = tpu.memref_squeeze %dma_wait3A_819 : memref<1x16x2048xf32, #tpu.memory_space<vmem>> -> memref<16x2048xf32, #tpu.memory_space<vmem>>
    %dma_wait3A_821 = arith.constant 0 : i32
    %dma_wait3A_822 = tpu.memref_slice %arg2[%add3A_802, %dma_wait3A_821] : memref<8192x2048xf32, #tpu.memory_space<hbm>> -> memref<16x2048xf32, #tpu.memory_space<hbm>>
    %dma_wait3A_823 = arith.constant 0 : i32
    %dma_wait3A_824 = arith.constant 0 : i32
    %dma_wait3A_825 = tpu.memref_slice %arg4[%dma_wait3A_816, %dma_wait3A_823, %dma_wait3A_824] : memref<2x16x2048xf32, #tpu.memory_space<vmem>> -> memref<1x16x2048xf32, #tpu.memory_space<vmem>>
    %dma_wait3A_826 = tpu.memref_squeeze %dma_wait3A_825 : memref<1x16x2048xf32, #tpu.memory_space<vmem>> -> memref<16x2048xf32, #tpu.memory_space<vmem>>
    %dma_wait3A_827 = arith.constant 0 : i32
    %dma_wait3A_828 = tpu.memref_slice %arg2[%add3A_802, %dma_wait3A_827] : memref<8192x2048xf32, #tpu.memory_space<hbm>> -> memref<16x2048xf32, #tpu.memory_space<hbm>>
    tpu.wait_dma2 semaphore(%arg5 : memref<!tpu.dma_semaphore, #tpu.memory_space<semaphore_mem>>) src(%dma_wait3A_828 : memref<16x2048xf32, #tpu.memory_space<hbm>>) dst(%dma_wait3A_826 : memref<16x2048xf32, #tpu.memory_space<vmem>>)
    %add3A_829 = arith.constant 96 : i32
    %add3A_830 = arith.addi %mul3A_2, %add3A_829 : i32
    %add3A_831 = arith.constant 0 : i32
    %add3A_832 = arith.addi %add3A_831, %add3A_830 : i32
    %dma_start3A_833 = arith.constant 0 : i32
    %dma_start3A_834 = arith.constant 0 : i32
    %dma_start3A_835 = arith.constant 0 : i32
    %dma_start3A_836 = tpu.memref_slice %arg4[%dma_start3A_833, %dma_start3A_834, %dma_start3A_835] : memref<2x16x2048xf32, #tpu.memory_space<vmem>> -> memref<1x16x2048xf32, #tpu.memory_space<vmem>>
    %dma_start3A_837 = tpu.memref_squeeze %dma_start3A_836 : memref<1x16x2048xf32, #tpu.memory_space<vmem>> -> memref<16x2048xf32, #tpu.memory_space<vmem>>
    %dma_start3A_838 = arith.constant 0 : i32
    %dma_start3A_839 = tpu.memref_slice %arg3[%add3A_832, %dma_start3A_838] : memref<16384x2048xf32, #tpu.memory_space<hbm>> -> memref<16x2048xf32, #tpu.memory_space<hbm>>
    %dma_start3A_840 = arith.constant 0 : i32
    %dma_start3A_841 = tpu.memref_slice %arg3[%add3A_832, %dma_start3A_840] : memref<16384x2048xf32, #tpu.memory_space<hbm>> -> memref<16x2048xf32, #tpu.memory_space<hbm>>
    %dma_start3A_842 = arith.constant 0 : i32
    %dma_start3A_843 = arith.constant 0 : i32
    %dma_start3A_844 = tpu.memref_slice %arg4[%dma_start3A_833, %dma_start3A_842, %dma_start3A_843] : memref<2x16x2048xf32, #tpu.memory_space<vmem>> -> memref<1x16x2048xf32, #tpu.memory_space<vmem>>
    %dma_start3A_845 = tpu.memref_squeeze %dma_start3A_844 : memref<1x16x2048xf32, #tpu.memory_space<vmem>> -> memref<16x2048xf32, #tpu.memory_space<vmem>>
    tpu.enqueue_dma source(%dma_start3A_845 : memref<16x2048xf32, #tpu.memory_space<vmem>>) target(%dma_start3A_841 : memref<16x2048xf32, #tpu.memory_space<hbm>>) target_semaphore(%arg6 : memref<!tpu.dma_semaphore, #tpu.memory_space<semaphore_mem>>)
    %add3A_846 = arith.constant 4096 : i32
    %add3A_847 = arith.addi %add3A_846, %add3A_830 : i32
    %dma_start3A_848 = arith.constant 0 : i32
    %dma_start3A_849 = arith.constant 0 : i32
    %dma_start3A_850 = arith.constant 0 : i32
    %dma_start3A_851 = tpu.memref_slice %arg4[%dma_start3A_848, %dma_start3A_849, %dma_start3A_850] : memref<2x16x2048xf32, #tpu.memory_space<vmem>> -> memref<1x16x2048xf32, #tpu.memory_space<vmem>>
    %dma_start3A_852 = tpu.memref_squeeze %dma_start3A_851 : memref<1x16x2048xf32, #tpu.memory_space<vmem>> -> memref<16x2048xf32, #tpu.memory_space<vmem>>
    %dma_start3A_853 = arith.constant 0 : i32
    %dma_start3A_854 = tpu.memref_slice %arg3[%add3A_847, %dma_start3A_853] : memref<16384x2048xf32, #tpu.memory_space<hbm>> -> memref<16x2048xf32, #tpu.memory_space<hbm>>
    %dma_start3A_855 = arith.constant 0 : i32
    %dma_start3A_856 = tpu.memref_slice %arg3[%add3A_847, %dma_start3A_855] : memref<16384x2048xf32, #tpu.memory_space<hbm>> -> memref<16x2048xf32, #tpu.memory_space<hbm>>
    %dma_start3A_857 = arith.constant 0 : i32
    %dma_start3A_858 = arith.constant 0 : i32
    %dma_start3A_859 = tpu.memref_slice %arg4[%dma_start3A_848, %dma_start3A_857, %dma_start3A_858] : memref<2x16x2048xf32, #tpu.memory_space<vmem>> -> memref<1x16x2048xf32, #tpu.memory_space<vmem>>
    %dma_start3A_860 = tpu.memref_squeeze %dma_start3A_859 : memref<1x16x2048xf32, #tpu.memory_space<vmem>> -> memref<16x2048xf32, #tpu.memory_space<vmem>>
    tpu.enqueue_dma source(%dma_start3A_860 : memref<16x2048xf32, #tpu.memory_space<vmem>>) target(%dma_start3A_856 : memref<16x2048xf32, #tpu.memory_space<hbm>>) target_semaphore(%arg6 : memref<!tpu.dma_semaphore, #tpu.memory_space<semaphore_mem>>)
    %add3A_861 = arith.constant 8192 : i32
    %add3A_862 = arith.addi %add3A_861, %add3A_830 : i32
    %dma_start3A_863 = arith.constant 0 : i32
    %dma_start3A_864 = arith.constant 0 : i32
    %dma_start3A_865 = arith.constant 0 : i32
    %dma_start3A_866 = tpu.memref_slice %arg4[%dma_start3A_863, %dma_start3A_864, %dma_start3A_865] : memref<2x16x2048xf32, #tpu.memory_space<vmem>> -> memref<1x16x2048xf32, #tpu.memory_space<vmem>>
    %dma_start3A_867 = tpu.memref_squeeze %dma_start3A_866 : memref<1x16x2048xf32, #tpu.memory_space<vmem>> -> memref<16x2048xf32, #tpu.memory_space<vmem>>
    %dma_start3A_868 = arith.constant 0 : i32
    %dma_start3A_869 = tpu.memref_slice %arg3[%add3A_862, %dma_start3A_868] : memref<16384x2048xf32, #tpu.memory_space<hbm>> -> memref<16x2048xf32, #tpu.memory_space<hbm>>
    %dma_start3A_870 = arith.constant 0 : i32
    %dma_start3A_871 = tpu.memref_slice %arg3[%add3A_862, %dma_start3A_870] : memref<16384x2048xf32, #tpu.memory_space<hbm>> -> memref<16x2048xf32, #tpu.memory_space<hbm>>
    %dma_start3A_872 = arith.constant 0 : i32
    %dma_start3A_873 = arith.constant 0 : i32
    %dma_start3A_874 = tpu.memref_slice %arg4[%dma_start3A_863, %dma_start3A_872, %dma_start3A_873] : memref<2x16x2048xf32, #tpu.memory_space<vmem>> -> memref<1x16x2048xf32, #tpu.memory_space<vmem>>
    %dma_start3A_875 = tpu.memref_squeeze %dma_start3A_874 : memref<1x16x2048xf32, #tpu.memory_space<vmem>> -> memref<16x2048xf32, #tpu.memory_space<vmem>>
    tpu.enqueue_dma source(%dma_start3A_875 : memref<16x2048xf32, #tpu.memory_space<vmem>>) target(%dma_start3A_871 : memref<16x2048xf32, #tpu.memory_space<hbm>>) target_semaphore(%arg6 : memref<!tpu.dma_semaphore, #tpu.memory_space<semaphore_mem>>)
    %add3A_876 = arith.constant 12288 : i32
    %add3A_877 = arith.addi %add3A_876, %add3A_830 : i32
    %dma_start3A_878 = arith.constant 0 : i32
    %dma_start3A_879 = arith.constant 0 : i32
    %dma_start3A_880 = arith.constant 0 : i32
    %dma_start3A_881 = tpu.memref_slice %arg4[%dma_start3A_878, %dma_start3A_879, %dma_start3A_880] : memref<2x16x2048xf32, #tpu.memory_space<vmem>> -> memref<1x16x2048xf32, #tpu.memory_space<vmem>>
    %dma_start3A_882 = tpu.memref_squeeze %dma_start3A_881 : memref<1x16x2048xf32, #tpu.memory_space<vmem>> -> memref<16x2048xf32, #tpu.memory_space<vmem>>
    %dma_start3A_883 = arith.constant 0 : i32
    %dma_start3A_884 = tpu.memref_slice %arg3[%add3A_877, %dma_start3A_883] : memref<16384x2048xf32, #tpu.memory_space<hbm>> -> memref<16x2048xf32, #tpu.memory_space<hbm>>
    %dma_start3A_885 = arith.constant 0 : i32
    %dma_start3A_886 = tpu.memref_slice %arg3[%add3A_877, %dma_start3A_885] : memref<16384x2048xf32, #tpu.memory_space<hbm>> -> memref<16x2048xf32, #tpu.memory_space<hbm>>
    %dma_start3A_887 = arith.constant 0 : i32
    %dma_start3A_888 = arith.constant 0 : i32
    %dma_start3A_889 = tpu.memref_slice %arg4[%dma_start3A_878, %dma_start3A_887, %dma_start3A_888] : memref<2x16x2048xf32, #tpu.memory_space<vmem>> -> memref<1x16x2048xf32, #tpu.memory_space<vmem>>
    %dma_start3A_890 = tpu.memref_squeeze %dma_start3A_889 : memref<1x16x2048xf32, #tpu.memory_space<vmem>> -> memref<16x2048xf32, #tpu.memory_space<vmem>>
    tpu.enqueue_dma source(%dma_start3A_890 : memref<16x2048xf32, #tpu.memory_space<vmem>>) target(%dma_start3A_886 : memref<16x2048xf32, #tpu.memory_space<hbm>>) target_semaphore(%arg6 : memref<!tpu.dma_semaphore, #tpu.memory_space<semaphore_mem>>)
    %dma_wait3A_891 = arith.constant 1 : i32
    %dma_wait3A_892 = arith.constant 0 : i32
    %dma_wait3A_893 = arith.constant 0 : i32
    %dma_wait3A_894 = tpu.memref_slice %arg4[%dma_wait3A_891, %dma_wait3A_892, %dma_wait3A_893] : memref<2x16x2048xf32, #tpu.memory_space<vmem>> -> memref<1x16x2048xf32, #tpu.memory_space<vmem>>
    %dma_wait3A_895 = tpu.memref_squeeze %dma_wait3A_894 : memref<1x16x2048xf32, #tpu.memory_space<vmem>> -> memref<16x2048xf32, #tpu.memory_space<vmem>>
    %dma_wait3A_896 = arith.constant 0 : i32
    %dma_wait3A_897 = tpu.memref_slice %arg3[%add3A_690, %dma_wait3A_896] : memref<16384x2048xf32, #tpu.memory_space<hbm>> -> memref<16x2048xf32, #tpu.memory_space<hbm>>
    %dma_wait3A_898 = arith.constant 0 : i32
    %dma_wait3A_899 = tpu.memref_slice %arg3[%add3A_690, %dma_wait3A_898] : memref<16384x2048xf32, #tpu.memory_space<hbm>> -> memref<16x2048xf32, #tpu.memory_space<hbm>>
    %dma_wait3A_900 = arith.constant 0 : i32
    %dma_wait3A_901 = arith.constant 0 : i32
    %dma_wait3A_902 = tpu.memref_slice %arg4[%dma_wait3A_891, %dma_wait3A_900, %dma_wait3A_901] : memref<2x16x2048xf32, #tpu.memory_space<vmem>> -> memref<1x16x2048xf32, #tpu.memory_space<vmem>>
    %dma_wait3A_903 = tpu.memref_squeeze %dma_wait3A_902 : memref<1x16x2048xf32, #tpu.memory_space<vmem>> -> memref<16x2048xf32, #tpu.memory_space<vmem>>
    tpu.wait_dma2 semaphore(%arg6 : memref<!tpu.dma_semaphore, #tpu.memory_space<semaphore_mem>>) src(%dma_wait3A_903 : memref<16x2048xf32, #tpu.memory_space<vmem>>) dst(%dma_wait3A_899 : memref<16x2048xf32, #tpu.memory_space<hbm>>)
    %dma_wait3A_904 = arith.constant 1 : i32
    %dma_wait3A_905 = arith.constant 0 : i32
    %dma_wait3A_906 = arith.constant 0 : i32
    %dma_wait3A_907 = tpu.memref_slice %arg4[%dma_wait3A_904, %dma_wait3A_905, %dma_wait3A_906] : memref<2x16x2048xf32, #tpu.memory_space<vmem>> -> memref<1x16x2048xf32, #tpu.memory_space<vmem>>
    %dma_wait3A_908 = tpu.memref_squeeze %dma_wait3A_907 : memref<1x16x2048xf32, #tpu.memory_space<vmem>> -> memref<16x2048xf32, #tpu.memory_space<vmem>>
    %dma_wait3A_909 = arith.constant 0 : i32
    %dma_wait3A_910 = tpu.memref_slice %arg3[%add3A_705, %dma_wait3A_909] : memref<16384x2048xf32, #tpu.memory_space<hbm>> -> memref<16x2048xf32, #tpu.memory_space<hbm>>
    %dma_wait3A_911 = arith.constant 0 : i32
    %dma_wait3A_912 = tpu.memref_slice %arg3[%add3A_705, %dma_wait3A_911] : memref<16384x2048xf32, #tpu.memory_space<hbm>> -> memref<16x2048xf32, #tpu.memory_space<hbm>>
    %dma_wait3A_913 = arith.constant 0 : i32
    %dma_wait3A_914 = arith.constant 0 : i32
    %dma_wait3A_915 = tpu.memref_slice %arg4[%dma_wait3A_904, %dma_wait3A_913, %dma_wait3A_914] : memref<2x16x2048xf32, #tpu.memory_space<vmem>> -> memref<1x16x2048xf32, #tpu.memory_space<vmem>>
    %dma_wait3A_916 = tpu.memref_squeeze %dma_wait3A_915 : memref<1x16x2048xf32, #tpu.memory_space<vmem>> -> memref<16x2048xf32, #tpu.memory_space<vmem>>
    tpu.wait_dma2 semaphore(%arg6 : memref<!tpu.dma_semaphore, #tpu.memory_space<semaphore_mem>>) src(%dma_wait3A_916 : memref<16x2048xf32, #tpu.memory_space<vmem>>) dst(%dma_wait3A_912 : memref<16x2048xf32, #tpu.memory_space<hbm>>)
    %dma_wait3A_917 = arith.constant 1 : i32
    %dma_wait3A_918 = arith.constant 0 : i32
    %dma_wait3A_919 = arith.constant 0 : i32
    %dma_wait3A_920 = tpu.memref_slice %arg4[%dma_wait3A_917, %dma_wait3A_918, %dma_wait3A_919] : memref<2x16x2048xf32, #tpu.memory_space<vmem>> -> memref<1x16x2048xf32, #tpu.memory_space<vmem>>
    %dma_wait3A_921 = tpu.memref_squeeze %dma_wait3A_920 : memref<1x16x2048xf32, #tpu.memory_space<vmem>> -> memref<16x2048xf32, #tpu.memory_space<vmem>>
    %dma_wait3A_922 = arith.constant 0 : i32
    %dma_wait3A_923 = tpu.memref_slice %arg3[%add3A_720, %dma_wait3A_922] : memref<16384x2048xf32, #tpu.memory_space<hbm>> -> memref<16x2048xf32, #tpu.memory_space<hbm>>
    %dma_wait3A_924 = arith.constant 0 : i32
    %dma_wait3A_925 = tpu.memref_slice %arg3[%add3A_720, %dma_wait3A_924] : memref<16384x2048xf32, #tpu.memory_space<hbm>> -> memref<16x2048xf32, #tpu.memory_space<hbm>>
    %dma_wait3A_926 = arith.constant 0 : i32
    %dma_wait3A_927 = arith.constant 0 : i32
    %dma_wait3A_928 = tpu.memref_slice %arg4[%dma_wait3A_917, %dma_wait3A_926, %dma_wait3A_927] : memref<2x16x2048xf32, #tpu.memory_space<vmem>> -> memref<1x16x2048xf32, #tpu.memory_space<vmem>>
    %dma_wait3A_929 = tpu.memref_squeeze %dma_wait3A_928 : memref<1x16x2048xf32, #tpu.memory_space<vmem>> -> memref<16x2048xf32, #tpu.memory_space<vmem>>
    tpu.wait_dma2 semaphore(%arg6 : memref<!tpu.dma_semaphore, #tpu.memory_space<semaphore_mem>>) src(%dma_wait3A_929 : memref<16x2048xf32, #tpu.memory_space<vmem>>) dst(%dma_wait3A_925 : memref<16x2048xf32, #tpu.memory_space<hbm>>)
    %dma_wait3A_930 = arith.constant 1 : i32
    %dma_wait3A_931 = arith.constant 0 : i32
    %dma_wait3A_932 = arith.constant 0 : i32
    %dma_wait3A_933 = tpu.memref_slice %arg4[%dma_wait3A_930, %dma_wait3A_931, %dma_wait3A_932] : memref<2x16x2048xf32, #tpu.memory_space<vmem>> -> memref<1x16x2048xf32, #tpu.memory_space<vmem>>
    %dma_wait3A_934 = tpu.memref_squeeze %dma_wait3A_933 : memref<1x16x2048xf32, #tpu.memory_space<vmem>> -> memref<16x2048xf32, #tpu.memory_space<vmem>>
    %dma_wait3A_935 = arith.constant 0 : i32
    %dma_wait3A_936 = tpu.memref_slice %arg3[%add3A_735, %dma_wait3A_935] : memref<16384x2048xf32, #tpu.memory_space<hbm>> -> memref<16x2048xf32, #tpu.memory_space<hbm>>
    %dma_wait3A_937 = arith.constant 0 : i32
    %dma_wait3A_938 = tpu.memref_slice %arg3[%add3A_735, %dma_wait3A_937] : memref<16384x2048xf32, #tpu.memory_space<hbm>> -> memref<16x2048xf32, #tpu.memory_space<hbm>>
    %dma_wait3A_939 = arith.constant 0 : i32
    %dma_wait3A_940 = arith.constant 0 : i32
    %dma_wait3A_941 = tpu.memref_slice %arg4[%dma_wait3A_930, %dma_wait3A_939, %dma_wait3A_940] : memref<2x16x2048xf32, #tpu.memory_space<vmem>> -> memref<1x16x2048xf32, #tpu.memory_space<vmem>>
    %dma_wait3A_942 = tpu.memref_squeeze %dma_wait3A_941 : memref<1x16x2048xf32, #tpu.memory_space<vmem>> -> memref<16x2048xf32, #tpu.memory_space<vmem>>
    tpu.wait_dma2 semaphore(%arg6 : memref<!tpu.dma_semaphore, #tpu.memory_space<semaphore_mem>>) src(%dma_wait3A_942 : memref<16x2048xf32, #tpu.memory_space<vmem>>) dst(%dma_wait3A_938 : memref<16x2048xf32, #tpu.memory_space<hbm>>)
    %add3A_943 = arith.constant 112 : i32
    %add3A_944 = arith.addi %mul3A_2, %add3A_943 : i32
    %dma_start3A_945 = arith.constant 1 : i32
    %dma_start3A_946 = arith.constant 0 : i32
    %dma_start3A_947 = arith.constant 0 : i32
    %dma_start3A_948 = tpu.memref_slice %arg4[%dma_start3A_945, %dma_start3A_946, %dma_start3A_947] : memref<2x16x2048xf32, #tpu.memory_space<vmem>> -> memref<1x16x2048xf32, #tpu.memory_space<vmem>>
    %dma_start3A_949 = tpu.memref_squeeze %dma_start3A_948 : memref<1x16x2048xf32, #tpu.memory_space<vmem>> -> memref<16x2048xf32, #tpu.memory_space<vmem>>
    %dma_start3A_950 = arith.constant 0 : i32
    %dma_start3A_951 = tpu.memref_slice %arg2[%add3A_944, %dma_start3A_950] : memref<8192x2048xf32, #tpu.memory_space<hbm>> -> memref<16x2048xf32, #tpu.memory_space<hbm>>
    %dma_start3A_952 = arith.constant 0 : i32
    %dma_start3A_953 = arith.constant 0 : i32
    %dma_start3A_954 = tpu.memref_slice %arg4[%dma_start3A_945, %dma_start3A_952, %dma_start3A_953] : memref<2x16x2048xf32, #tpu.memory_space<vmem>> -> memref<1x16x2048xf32, #tpu.memory_space<vmem>>
    %dma_start3A_955 = tpu.memref_squeeze %dma_start3A_954 : memref<1x16x2048xf32, #tpu.memory_space<vmem>> -> memref<16x2048xf32, #tpu.memory_space<vmem>>
    %dma_start3A_956 = arith.constant 0 : i32
    %dma_start3A_957 = tpu.memref_slice %arg2[%add3A_944, %dma_start3A_956] : memref<8192x2048xf32, #tpu.memory_space<hbm>> -> memref<16x2048xf32, #tpu.memory_space<hbm>>
    tpu.enqueue_dma source(%dma_start3A_957 : memref<16x2048xf32, #tpu.memory_space<hbm>>) target(%dma_start3A_955 : memref<16x2048xf32, #tpu.memory_space<vmem>>) target_semaphore(%arg5 : memref<!tpu.dma_semaphore, #tpu.memory_space<semaphore_mem>>)
    %dma_wait3A_958 = arith.constant 1 : i32
    %dma_wait3A_959 = arith.constant 0 : i32
    %dma_wait3A_960 = arith.constant 0 : i32
    %dma_wait3A_961 = tpu.memref_slice %arg4[%dma_wait3A_958, %dma_wait3A_959, %dma_wait3A_960] : memref<2x16x2048xf32, #tpu.memory_space<vmem>> -> memref<1x16x2048xf32, #tpu.memory_space<vmem>>
    %dma_wait3A_962 = tpu.memref_squeeze %dma_wait3A_961 : memref<1x16x2048xf32, #tpu.memory_space<vmem>> -> memref<16x2048xf32, #tpu.memory_space<vmem>>
    %dma_wait3A_963 = arith.constant 0 : i32
    %dma_wait3A_964 = tpu.memref_slice %arg2[%add3A_944, %dma_wait3A_963] : memref<8192x2048xf32, #tpu.memory_space<hbm>> -> memref<16x2048xf32, #tpu.memory_space<hbm>>
    %dma_wait3A_965 = arith.constant 0 : i32
    %dma_wait3A_966 = arith.constant 0 : i32
    %dma_wait3A_967 = tpu.memref_slice %arg4[%dma_wait3A_958, %dma_wait3A_965, %dma_wait3A_966] : memref<2x16x2048xf32, #tpu.memory_space<vmem>> -> memref<1x16x2048xf32, #tpu.memory_space<vmem>>
    %dma_wait3A_968 = tpu.memref_squeeze %dma_wait3A_967 : memref<1x16x2048xf32, #tpu.memory_space<vmem>> -> memref<16x2048xf32, #tpu.memory_space<vmem>>
    %dma_wait3A_969 = arith.constant 0 : i32
    %dma_wait3A_970 = tpu.memref_slice %arg2[%add3A_944, %dma_wait3A_969] : memref<8192x2048xf32, #tpu.memory_space<hbm>> -> memref<16x2048xf32, #tpu.memory_space<hbm>>
    tpu.wait_dma2 semaphore(%arg5 : memref<!tpu.dma_semaphore, #tpu.memory_space<semaphore_mem>>) src(%dma_wait3A_970 : memref<16x2048xf32, #tpu.memory_space<hbm>>) dst(%dma_wait3A_968 : memref<16x2048xf32, #tpu.memory_space<vmem>>)
    %add3A_971 = arith.constant 112 : i32
    %add3A_972 = arith.addi %mul3A_2, %add3A_971 : i32
    %add3A_973 = arith.constant 0 : i32
    %add3A_974 = arith.addi %add3A_973, %add3A_972 : i32
    %dma_start3A_975 = arith.constant 1 : i32
    %dma_start3A_976 = arith.constant 0 : i32
    %dma_start3A_977 = arith.constant 0 : i32
    %dma_start3A_978 = tpu.memref_slice %arg4[%dma_start3A_975, %dma_start3A_976, %dma_start3A_977] : memref<2x16x2048xf32, #tpu.memory_space<vmem>> -> memref<1x16x2048xf32, #tpu.memory_space<vmem>>
    %dma_start3A_979 = tpu.memref_squeeze %dma_start3A_978 : memref<1x16x2048xf32, #tpu.memory_space<vmem>> -> memref<16x2048xf32, #tpu.memory_space<vmem>>
    %dma_start3A_980 = arith.constant 0 : i32
    %dma_start3A_981 = tpu.memref_slice %arg3[%add3A_974, %dma_start3A_980] : memref<16384x2048xf32, #tpu.memory_space<hbm>> -> memref<16x2048xf32, #tpu.memory_space<hbm>>
    %dma_start3A_982 = arith.constant 0 : i32
    %dma_start3A_983 = tpu.memref_slice %arg3[%add3A_974, %dma_start3A_982] : memref<16384x2048xf32, #tpu.memory_space<hbm>> -> memref<16x2048xf32, #tpu.memory_space<hbm>>
    %dma_start3A_984 = arith.constant 0 : i32
    %dma_start3A_985 = arith.constant 0 : i32
    %dma_start3A_986 = tpu.memref_slice %arg4[%dma_start3A_975, %dma_start3A_984, %dma_start3A_985] : memref<2x16x2048xf32, #tpu.memory_space<vmem>> -> memref<1x16x2048xf32, #tpu.memory_space<vmem>>
    %dma_start3A_987 = tpu.memref_squeeze %dma_start3A_986 : memref<1x16x2048xf32, #tpu.memory_space<vmem>> -> memref<16x2048xf32, #tpu.memory_space<vmem>>
    tpu.enqueue_dma source(%dma_start3A_987 : memref<16x2048xf32, #tpu.memory_space<vmem>>) target(%dma_start3A_983 : memref<16x2048xf32, #tpu.memory_space<hbm>>) target_semaphore(%arg6 : memref<!tpu.dma_semaphore, #tpu.memory_space<semaphore_mem>>)
    %add3A_988 = arith.constant 4096 : i32
    %add3A_989 = arith.addi %add3A_988, %add3A_972 : i32
    %dma_start3A_990 = arith.constant 1 : i32
    %dma_start3A_991 = arith.constant 0 : i32
    %dma_start3A_992 = arith.constant 0 : i32
    %dma_start3A_993 = tpu.memref_slice %arg4[%dma_start3A_990, %dma_start3A_991, %dma_start3A_992] : memref<2x16x2048xf32, #tpu.memory_space<vmem>> -> memref<1x16x2048xf32, #tpu.memory_space<vmem>>
    %dma_start3A_994 = tpu.memref_squeeze %dma_start3A_993 : memref<1x16x2048xf32, #tpu.memory_space<vmem>> -> memref<16x2048xf32, #tpu.memory_space<vmem>>
    %dma_start3A_995 = arith.constant 0 : i32
    %dma_start3A_996 = tpu.memref_slice %arg3[%add3A_989, %dma_start3A_995] : memref<16384x2048xf32, #tpu.memory_space<hbm>> -> memref<16x2048xf32, #tpu.memory_space<hbm>>
    %dma_start3A_997 = arith.constant 0 : i32
    %dma_start3A_998 = tpu.memref_slice %arg3[%add3A_989, %dma_start3A_997] : memref<16384x2048xf32, #tpu.memory_space<hbm>> -> memref<16x2048xf32, #tpu.memory_space<hbm>>
    %dma_start3A_999 = arith.constant 0 : i32
    %dma_start3A_1000 = arith.constant 0 : i32
    %dma_start3A_1001 = tpu.memref_slice %arg4[%dma_start3A_990, %dma_start3A_999, %dma_start3A_1000] : memref<2x16x2048xf32, #tpu.memory_space<vmem>> -> memref<1x16x2048xf32, #tpu.memory_space<vmem>>
    %dma_start3A_1002 = tpu.memref_squeeze %dma_start3A_1001 : memref<1x16x2048xf32, #tpu.memory_space<vmem>> -> memref<16x2048xf32, #tpu.memory_space<vmem>>
    tpu.enqueue_dma source(%dma_start3A_1002 : memref<16x2048xf32, #tpu.memory_space<vmem>>) target(%dma_start3A_998 : memref<16x2048xf32, #tpu.memory_space<hbm>>) target_semaphore(%arg6 : memref<!tpu.dma_semaphore, #tpu.memory_space<semaphore_mem>>)
    %add3A_1003 = arith.constant 8192 : i32
    %add3A_1004 = arith.addi %add3A_1003, %add3A_972 : i32
    %dma_start3A_1005 = arith.constant 1 : i32
    %dma_start3A_1006 = arith.constant 0 : i32
    %dma_start3A_1007 = arith.constant 0 : i32
    %dma_start3A_1008 = tpu.memref_slice %arg4[%dma_start3A_1005, %dma_start3A_1006, %dma_start3A_1007] : memref<2x16x2048xf32, #tpu.memory_space<vmem>> -> memref<1x16x2048xf32, #tpu.memory_space<vmem>>
    %dma_start3A_1009 = tpu.memref_squeeze %dma_start3A_1008 : memref<1x16x2048xf32, #tpu.memory_space<vmem>> -> memref<16x2048xf32, #tpu.memory_space<vmem>>
    %dma_start3A_1010 = arith.constant 0 : i32
    %dma_start3A_1011 = tpu.memref_slice %arg3[%add3A_1004, %dma_start3A_1010] : memref<16384x2048xf32, #tpu.memory_space<hbm>> -> memref<16x2048xf32, #tpu.memory_space<hbm>>
    %dma_start3A_1012 = arith.constant 0 : i32
    %dma_start3A_1013 = tpu.memref_slice %arg3[%add3A_1004, %dma_start3A_1012] : memref<16384x2048xf32, #tpu.memory_space<hbm>> -> memref<16x2048xf32, #tpu.memory_space<hbm>>
    %dma_start3A_1014 = arith.constant 0 : i32
    %dma_start3A_1015 = arith.constant 0 : i32
    %dma_start3A_1016 = tpu.memref_slice %arg4[%dma_start3A_1005, %dma_start3A_1014, %dma_start3A_1015] : memref<2x16x2048xf32, #tpu.memory_space<vmem>> -> memref<1x16x2048xf32, #tpu.memory_space<vmem>>
    %dma_start3A_1017 = tpu.memref_squeeze %dma_start3A_1016 : memref<1x16x2048xf32, #tpu.memory_space<vmem>> -> memref<16x2048xf32, #tpu.memory_space<vmem>>
    tpu.enqueue_dma source(%dma_start3A_1017 : memref<16x2048xf32, #tpu.memory_space<vmem>>) target(%dma_start3A_1013 : memref<16x2048xf32, #tpu.memory_space<hbm>>) target_semaphore(%arg6 : memref<!tpu.dma_semaphore, #tpu.memory_space<semaphore_mem>>)
    %add3A_1018 = arith.constant 12288 : i32
    %add3A_1019 = arith.addi %add3A_1018, %add3A_972 : i32
    %dma_start3A_1020 = arith.constant 1 : i32
    %dma_start3A_1021 = arith.constant 0 : i32
    %dma_start3A_1022 = arith.constant 0 : i32
    %dma_start3A_1023 = tpu.memref_slice %arg4[%dma_start3A_1020, %dma_start3A_1021, %dma_start3A_1022] : memref<2x16x2048xf32, #tpu.memory_space<vmem>> -> memref<1x16x2048xf32, #tpu.memory_space<vmem>>
    %dma_start3A_1024 = tpu.memref_squeeze %dma_start3A_1023 : memref<1x16x2048xf32, #tpu.memory_space<vmem>> -> memref<16x2048xf32, #tpu.memory_space<vmem>>
    %dma_start3A_1025 = arith.constant 0 : i32
    %dma_start3A_1026 = tpu.memref_slice %arg3[%add3A_1019, %dma_start3A_1025] : memref<16384x2048xf32, #tpu.memory_space<hbm>> -> memref<16x2048xf32, #tpu.memory_space<hbm>>
    %dma_start3A_1027 = arith.constant 0 : i32
    %dma_start3A_1028 = tpu.memref_slice %arg3[%add3A_1019, %dma_start3A_1027] : memref<16384x2048xf32, #tpu.memory_space<hbm>> -> memref<16x2048xf32, #tpu.memory_space<hbm>>
    %dma_start3A_1029 = arith.constant 0 : i32
    %dma_start3A_1030 = arith.constant 0 : i32
    %dma_start3A_1031 = tpu.memref_slice %arg4[%dma_start3A_1020, %dma_start3A_1029, %dma_start3A_1030] : memref<2x16x2048xf32, #tpu.memory_space<vmem>> -> memref<1x16x2048xf32, #tpu.memory_space<vmem>>
    %dma_start3A_1032 = tpu.memref_squeeze %dma_start3A_1031 : memref<1x16x2048xf32, #tpu.memory_space<vmem>> -> memref<16x2048xf32, #tpu.memory_space<vmem>>
    tpu.enqueue_dma source(%dma_start3A_1032 : memref<16x2048xf32, #tpu.memory_space<vmem>>) target(%dma_start3A_1028 : memref<16x2048xf32, #tpu.memory_space<hbm>>) target_semaphore(%arg6 : memref<!tpu.dma_semaphore, #tpu.memory_space<semaphore_mem>>)
    %dma_wait3A_1033 = arith.constant 0 : i32
    %dma_wait3A_1034 = arith.constant 0 : i32
    %dma_wait3A_1035 = arith.constant 0 : i32
    %dma_wait3A_1036 = tpu.memref_slice %arg4[%dma_wait3A_1033, %dma_wait3A_1034, %dma_wait3A_1035] : memref<2x16x2048xf32, #tpu.memory_space<vmem>> -> memref<1x16x2048xf32, #tpu.memory_space<vmem>>
    %dma_wait3A_1037 = tpu.memref_squeeze %dma_wait3A_1036 : memref<1x16x2048xf32, #tpu.memory_space<vmem>> -> memref<16x2048xf32, #tpu.memory_space<vmem>>
    %dma_wait3A_1038 = arith.constant 0 : i32
    %dma_wait3A_1039 = tpu.memref_slice %arg3[%add3A_832, %dma_wait3A_1038] : memref<16384x2048xf32, #tpu.memory_space<hbm>> -> memref<16x2048xf32, #tpu.memory_space<hbm>>
    %dma_wait3A_1040 = arith.constant 0 : i32
    %dma_wait3A_1041 = tpu.memref_slice %arg3[%add3A_832, %dma_wait3A_1040] : memref<16384x2048xf32, #tpu.memory_space<hbm>> -> memref<16x2048xf32, #tpu.memory_space<hbm>>
    %dma_wait3A_1042 = arith.constant 0 : i32
    %dma_wait3A_1043 = arith.constant 0 : i32
    %dma_wait3A_1044 = tpu.memref_slice %arg4[%dma_wait3A_1033, %dma_wait3A_1042, %dma_wait3A_1043] : memref<2x16x2048xf32, #tpu.memory_space<vmem>> -> memref<1x16x2048xf32, #tpu.memory_space<vmem>>
    %dma_wait3A_1045 = tpu.memref_squeeze %dma_wait3A_1044 : memref<1x16x2048xf32, #tpu.memory_space<vmem>> -> memref<16x2048xf32, #tpu.memory_space<vmem>>
    tpu.wait_dma2 semaphore(%arg6 : memref<!tpu.dma_semaphore, #tpu.memory_space<semaphore_mem>>) src(%dma_wait3A_1045 : memref<16x2048xf32, #tpu.memory_space<vmem>>) dst(%dma_wait3A_1041 : memref<16x2048xf32, #tpu.memory_space<hbm>>)
    %dma_wait3A_1046 = arith.constant 0 : i32
    %dma_wait3A_1047 = arith.constant 0 : i32
    %dma_wait3A_1048 = arith.constant 0 : i32
    %dma_wait3A_1049 = tpu.memref_slice %arg4[%dma_wait3A_1046, %dma_wait3A_1047, %dma_wait3A_1048] : memref<2x16x2048xf32, #tpu.memory_space<vmem>> -> memref<1x16x2048xf32, #tpu.memory_space<vmem>>
    %dma_wait3A_1050 = tpu.memref_squeeze %dma_wait3A_1049 : memref<1x16x2048xf32, #tpu.memory_space<vmem>> -> memref<16x2048xf32, #tpu.memory_space<vmem>>
    %dma_wait3A_1051 = arith.constant 0 : i32
    %dma_wait3A_1052 = tpu.memref_slice %arg3[%add3A_847, %dma_wait3A_1051] : memref<16384x2048xf32, #tpu.memory_space<hbm>> -> memref<16x2048xf32, #tpu.memory_space<hbm>>
    %dma_wait3A_1053 = arith.constant 0 : i32
    %dma_wait3A_1054 = tpu.memref_slice %arg3[%add3A_847, %dma_wait3A_1053] : memref<16384x2048xf32, #tpu.memory_space<hbm>> -> memref<16x2048xf32, #tpu.memory_space<hbm>>
    %dma_wait3A_1055 = arith.constant 0 : i32
    %dma_wait3A_1056 = arith.constant 0 : i32
    %dma_wait3A_1057 = tpu.memref_slice %arg4[%dma_wait3A_1046, %dma_wait3A_1055, %dma_wait3A_1056] : memref<2x16x2048xf32, #tpu.memory_space<vmem>> -> memref<1x16x2048xf32, #tpu.memory_space<vmem>>
    %dma_wait3A_1058 = tpu.memref_squeeze %dma_wait3A_1057 : memref<1x16x2048xf32, #tpu.memory_space<vmem>> -> memref<16x2048xf32, #tpu.memory_space<vmem>>
    tpu.wait_dma2 semaphore(%arg6 : memref<!tpu.dma_semaphore, #tpu.memory_space<semaphore_mem>>) src(%dma_wait3A_1058 : memref<16x2048xf32, #tpu.memory_space<vmem>>) dst(%dma_wait3A_1054 : memref<16x2048xf32, #tpu.memory_space<hbm>>)
    %dma_wait3A_1059 = arith.constant 0 : i32
    %dma_wait3A_1060 = arith.constant 0 : i32
    %dma_wait3A_1061 = arith.constant 0 : i32
    %dma_wait3A_1062 = tpu.memref_slice %arg4[%dma_wait3A_1059, %dma_wait3A_1060, %dma_wait3A_1061] : memref<2x16x2048xf32, #tpu.memory_space<vmem>> -> memref<1x16x2048xf32, #tpu.memory_space<vmem>>
    %dma_wait3A_1063 = tpu.memref_squeeze %dma_wait3A_1062 : memref<1x16x2048xf32, #tpu.memory_space<vmem>> -> memref<16x2048xf32, #tpu.memory_space<vmem>>
    %dma_wait3A_1064 = arith.constant 0 : i32
    %dma_wait3A_1065 = tpu.memref_slice %arg3[%add3A_862, %dma_wait3A_1064] : memref<16384x2048xf32, #tpu.memory_space<hbm>> -> memref<16x2048xf32, #tpu.memory_space<hbm>>
    %dma_wait3A_1066 = arith.constant 0 : i32
    %dma_wait3A_1067 = tpu.memref_slice %arg3[%add3A_862, %dma_wait3A_1066] : memref<16384x2048xf32, #tpu.memory_space<hbm>> -> memref<16x2048xf32, #tpu.memory_space<hbm>>
    %dma_wait3A_1068 = arith.constant 0 : i32
    %dma_wait3A_1069 = arith.constant 0 : i32
    %dma_wait3A_1070 = tpu.memref_slice %arg4[%dma_wait3A_1059, %dma_wait3A_1068, %dma_wait3A_1069] : memref<2x16x2048xf32, #tpu.memory_space<vmem>> -> memref<1x16x2048xf32, #tpu.memory_space<vmem>>
    %dma_wait3A_1071 = tpu.memref_squeeze %dma_wait3A_1070 : memref<1x16x2048xf32, #tpu.memory_space<vmem>> -> memref<16x2048xf32, #tpu.memory_space<vmem>>
    tpu.wait_dma2 semaphore(%arg6 : memref<!tpu.dma_semaphore, #tpu.memory_space<semaphore_mem>>) src(%dma_wait3A_1071 : memref<16x2048xf32, #tpu.memory_space<vmem>>) dst(%dma_wait3A_1067 : memref<16x2048xf32, #tpu.memory_space<hbm>>)
    %dma_wait3A_1072 = arith.constant 0 : i32
    %dma_wait3A_1073 = arith.constant 0 : i32
    %dma_wait3A_1074 = arith.constant 0 : i32
    %dma_wait3A_1075 = tpu.memref_slice %arg4[%dma_wait3A_1072, %dma_wait3A_1073, %dma_wait3A_1074] : memref<2x16x2048xf32, #tpu.memory_space<vmem>> -> memref<1x16x2048xf32, #tpu.memory_space<vmem>>
    %dma_wait3A_1076 = tpu.memref_squeeze %dma_wait3A_1075 : memref<1x16x2048xf32, #tpu.memory_space<vmem>> -> memref<16x2048xf32, #tpu.memory_space<vmem>>
    %dma_wait3A_1077 = arith.constant 0 : i32
    %dma_wait3A_1078 = tpu.memref_slice %arg3[%add3A_877, %dma_wait3A_1077] : memref<16384x2048xf32, #tpu.memory_space<hbm>> -> memref<16x2048xf32, #tpu.memory_space<hbm>>
    %dma_wait3A_1079 = arith.constant 0 : i32
    %dma_wait3A_1080 = tpu.memref_slice %arg3[%add3A_877, %dma_wait3A_1079] : memref<16384x2048xf32, #tpu.memory_space<hbm>> -> memref<16x2048xf32, #tpu.memory_space<hbm>>
    %dma_wait3A_1081 = arith.constant 0 : i32
    %dma_wait3A_1082 = arith.constant 0 : i32
    %dma_wait3A_1083 = tpu.memref_slice %arg4[%dma_wait3A_1072, %dma_wait3A_1081, %dma_wait3A_1082] : memref<2x16x2048xf32, #tpu.memory_space<vmem>> -> memref<1x16x2048xf32, #tpu.memory_space<vmem>>
    %dma_wait3A_1084 = tpu.memref_squeeze %dma_wait3A_1083 : memref<1x16x2048xf32, #tpu.memory_space<vmem>> -> memref<16x2048xf32, #tpu.memory_space<vmem>>
    tpu.wait_dma2 semaphore(%arg6 : memref<!tpu.dma_semaphore, #tpu.memory_space<semaphore_mem>>) src(%dma_wait3A_1084 : memref<16x2048xf32, #tpu.memory_space<vmem>>) dst(%dma_wait3A_1080 : memref<16x2048xf32, #tpu.memory_space<hbm>>)
    %dma_wait3A_1085 = arith.constant 1 : i32
    %dma_wait3A_1086 = arith.constant 0 : i32
    %dma_wait3A_1087 = arith.constant 0 : i32
    %dma_wait3A_1088 = tpu.memref_slice %arg4[%dma_wait3A_1085, %dma_wait3A_1086, %dma_wait3A_1087] : memref<2x16x2048xf32, #tpu.memory_space<vmem>> -> memref<1x16x2048xf32, #tpu.memory_space<vmem>>
    %dma_wait3A_1089 = tpu.memref_squeeze %dma_wait3A_1088 : memref<1x16x2048xf32, #tpu.memory_space<vmem>> -> memref<16x2048xf32, #tpu.memory_space<vmem>>
    %dma_wait3A_1090 = arith.constant 0 : i32
    %dma_wait3A_1091 = tpu.memref_slice %arg3[%add3A_974, %dma_wait3A_1090] : memref<16384x2048xf32, #tpu.memory_space<hbm>> -> memref<16x2048xf32, #tpu.memory_space<hbm>>
    %dma_wait3A_1092 = arith.constant 0 : i32
    %dma_wait3A_1093 = tpu.memref_slice %arg3[%add3A_974, %dma_wait3A_1092] : memref<16384x2048xf32, #tpu.memory_space<hbm>> -> memref<16x2048xf32, #tpu.memory_space<hbm>>
    %dma_wait3A_1094 = arith.constant 0 : i32
    %dma_wait3A_1095 = arith.constant 0 : i32
    %dma_wait3A_1096 = tpu.memref_slice %arg4[%dma_wait3A_1085, %dma_wait3A_1094, %dma_wait3A_1095] : memref<2x16x2048xf32, #tpu.memory_space<vmem>> -> memref<1x16x2048xf32, #tpu.memory_space<vmem>>
    %dma_wait3A_1097 = tpu.memref_squeeze %dma_wait3A_1096 : memref<1x16x2048xf32, #tpu.memory_space<vmem>> -> memref<16x2048xf32, #tpu.memory_space<vmem>>
    tpu.wait_dma2 semaphore(%arg6 : memref<!tpu.dma_semaphore, #tpu.memory_space<semaphore_mem>>) src(%dma_wait3A_1097 : memref<16x2048xf32, #tpu.memory_space<vmem>>) dst(%dma_wait3A_1093 : memref<16x2048xf32, #tpu.memory_space<hbm>>)
    %dma_wait3A_1098 = arith.constant 1 : i32
    %dma_wait3A_1099 = arith.constant 0 : i32
    %dma_wait3A_1100 = arith.constant 0 : i32
    %dma_wait3A_1101 = tpu.memref_slice %arg4[%dma_wait3A_1098, %dma_wait3A_1099, %dma_wait3A_1100] : memref<2x16x2048xf32, #tpu.memory_space<vmem>> -> memref<1x16x2048xf32, #tpu.memory_space<vmem>>
    %dma_wait3A_1102 = tpu.memref_squeeze %dma_wait3A_1101 : memref<1x16x2048xf32, #tpu.memory_space<vmem>> -> memref<16x2048xf32, #tpu.memory_space<vmem>>
    %dma_wait3A_1103 = arith.constant 0 : i32
    %dma_wait3A_1104 = tpu.memref_slice %arg3[%add3A_989, %dma_wait3A_1103] : memref<16384x2048xf32, #tpu.memory_space<hbm>> -> memref<16x2048xf32, #tpu.memory_space<hbm>>
    %dma_wait3A_1105 = arith.constant 0 : i32
    %dma_wait3A_1106 = tpu.memref_slice %arg3[%add3A_989, %dma_wait3A_1105] : memref<16384x2048xf32, #tpu.memory_space<hbm>> -> memref<16x2048xf32, #tpu.memory_space<hbm>>
    %dma_wait3A_1107 = arith.constant 0 : i32
    %dma_wait3A_1108 = arith.constant 0 : i32
    %dma_wait3A_1109 = tpu.memref_slice %arg4[%dma_wait3A_1098, %dma_wait3A_1107, %dma_wait3A_1108] : memref<2x16x2048xf32, #tpu.memory_space<vmem>> -> memref<1x16x2048xf32, #tpu.memory_space<vmem>>
    %dma_wait3A_1110 = tpu.memref_squeeze %dma_wait3A_1109 : memref<1x16x2048xf32, #tpu.memory_space<vmem>> -> memref<16x2048xf32, #tpu.memory_space<vmem>>
    tpu.wait_dma2 semaphore(%arg6 : memref<!tpu.dma_semaphore, #tpu.memory_space<semaphore_mem>>) src(%dma_wait3A_1110 : memref<16x2048xf32, #tpu.memory_space<vmem>>) dst(%dma_wait3A_1106 : memref<16x2048xf32, #tpu.memory_space<hbm>>)
    %dma_wait3A_1111 = arith.constant 1 : i32
    %dma_wait3A_1112 = arith.constant 0 : i32
    %dma_wait3A_1113 = arith.constant 0 : i32
    %dma_wait3A_1114 = tpu.memref_slice %arg4[%dma_wait3A_1111, %dma_wait3A_1112, %dma_wait3A_1113] : memref<2x16x2048xf32, #tpu.memory_space<vmem>> -> memref<1x16x2048xf32, #tpu.memory_space<vmem>>
    %dma_wait3A_1115 = tpu.memref_squeeze %dma_wait3A_1114 : memref<1x16x2048xf32, #tpu.memory_space<vmem>> -> memref<16x2048xf32, #tpu.memory_space<vmem>>
    %dma_wait3A_1116 = arith.constant 0 : i32
    %dma_wait3A_1117 = tpu.memref_slice %arg3[%add3A_1004, %dma_wait3A_1116] : memref<16384x2048xf32, #tpu.memory_space<hbm>> -> memref<16x2048xf32, #tpu.memory_space<hbm>>
    %dma_wait3A_1118 = arith.constant 0 : i32
    %dma_wait3A_1119 = tpu.memref_slice %arg3[%add3A_1004, %dma_wait3A_1118] : memref<16384x2048xf32, #tpu.memory_space<hbm>> -> memref<16x2048xf32, #tpu.memory_space<hbm>>
    %dma_wait3A_1120 = arith.constant 0 : i32
    %dma_wait3A_1121 = arith.constant 0 : i32
    %dma_wait3A_1122 = tpu.memref_slice %arg4[%dma_wait3A_1111, %dma_wait3A_1120, %dma_wait3A_1121] : memref<2x16x2048xf32, #tpu.memory_space<vmem>> -> memref<1x16x2048xf32, #tpu.memory_space<vmem>>
    %dma_wait3A_1123 = tpu.memref_squeeze %dma_wait3A_1122 : memref<1x16x2048xf32, #tpu.memory_space<vmem>> -> memref<16x2048xf32, #tpu.memory_space<vmem>>
    tpu.wait_dma2 semaphore(%arg6 : memref<!tpu.dma_semaphore, #tpu.memory_space<semaphore_mem>>) src(%dma_wait3A_1123 : memref<16x2048xf32, #tpu.memory_space<vmem>>) dst(%dma_wait3A_1119 : memref<16x2048xf32, #tpu.memory_space<hbm>>)
    %dma_wait3A_1124 = arith.constant 1 : i32
    %dma_wait3A_1125 = arith.constant 0 : i32
    %dma_wait3A_1126 = arith.constant 0 : i32
    %dma_wait3A_1127 = tpu.memref_slice %arg4[%dma_wait3A_1124, %dma_wait3A_1125, %dma_wait3A_1126] : memref<2x16x2048xf32, #tpu.memory_space<vmem>> -> memref<1x16x2048xf32, #tpu.memory_space<vmem>>
    %dma_wait3A_1128 = tpu.memref_squeeze %dma_wait3A_1127 : memref<1x16x2048xf32, #tpu.memory_space<vmem>> -> memref<16x2048xf32, #tpu.memory_space<vmem>>
    %dma_wait3A_1129 = arith.constant 0 : i32
    %dma_wait3A_1130 = tpu.memref_slice %arg3[%add3A_1019, %dma_wait3A_1129] : memref<16384x2048xf32, #tpu.memory_space<hbm>> -> memref<16x2048xf32, #tpu.memory_space<hbm>>
    %dma_wait3A_1131 = arith.constant 0 : i32
    %dma_wait3A_1132 = tpu.memref_slice %arg3[%add3A_1019, %dma_wait3A_1131] : memref<16384x2048xf32, #tpu.memory_space<hbm>> -> memref<16x2048xf32, #tpu.memory_space<hbm>>
    %dma_wait3A_1133 = arith.constant 0 : i32
    %dma_wait3A_1134 = arith.constant 0 : i32
    %dma_wait3A_1135 = tpu.memref_slice %arg4[%dma_wait3A_1124, %dma_wait3A_1133, %dma_wait3A_1134] : memref<2x16x2048xf32, #tpu.memory_space<vmem>> -> memref<1x16x2048xf32, #tpu.memory_space<vmem>>
    %dma_wait3A_1136 = tpu.memref_squeeze %dma_wait3A_1135 : memref<1x16x2048xf32, #tpu.memory_space<vmem>> -> memref<16x2048xf32, #tpu.memory_space<vmem>>
    tpu.wait_dma2 semaphore(%arg6 : memref<!tpu.dma_semaphore, #tpu.memory_space<semaphore_mem>>) src(%dma_wait3A_1136 : memref<16x2048xf32, #tpu.memory_space<vmem>>) dst(%dma_wait3A_1132 : memref<16x2048xf32, #tpu.memory_space<hbm>>)
    return
  }
}

</mosaic_0001>

<sc_bundles>
// kernel: kernel.3.cloned.1.call-start
scs
__scs_entry_jumppad:
0x0: {  	(pc) =	sbr.rel $0x88, $3  }
0x1: {  	(tag) =	ssettag $0x0;
	lr =	simm.s32 $0x1  }
0x2: {  	[smem:$0x3FA0] =	sst lr;
	_ =	strace $0xD0000000  }
0x3: {  	_ = 	snop  }
0x4: {  	_ = 	snop  }
0x5: {  	_ = 	snop  }
0x6: {  	_ = 	snop  }
0x7: {  	_ = 	snop  }
__scs_overlays_trampoline_lowered:
0x8: {  	[smem:$0x3FAF] =	sst s0  }
0x9: {  	[smem:$0x3FB0] =	sst s1  }
0xa: {  	[smem:$0x3FB1] =	sst s2  }
0xb: {  	[smem:$0x3FB2] =	sst s3  }
0xc: {  	[smem:$0x3FB3] =	sst s4  }
0xd: {  	[smem:$0x3FB4] =	sst s5  }
0xe: {  	[smem:$0x3FB5] =	sst s6  }
0xf: {  	[smem:$0x3FB6] =	sst s7  }
0x10: {  	[smem:$0x3FB7] =	sst s8  }
0x11: {  	[smem:$0x3FB8] =	sst s9;
	s0 =	simm.s32 @!p0 $0x0  }
0x12: {  	s1 =	sld [smem:$0x3F9E];
	s0 =	simm.s32 @p0 $0x1  }
0x13: {  	[smem:$0x3FB9] =	sst s0;
	s0 =	simm.s32 @!p1 $0x0  }
0x14: {  	s2 =	sld [smem:$0x3F9D];
	s0 =	simm.s32 @p1 $0x1  }
0x15: {  	[smem:$0x3FBA] =	sst s0;
	s0 =	simm.s32 @!p2 $0x0  }
0x16: {  	s3 =	sld [smem:$0x3FDB];
	s0 =	simm.s32 @p2 $0x1  }
0x17: {  	s4 =	simm.s32 $0x1BF5;
	[smem:$0x3FBC] =	sst s0  }
0x18: {  	s0 =	sld [smem:$0x3F9F];
	_ =	swait.ge [sflag:s4], $0x0  }
0x19: {  	s7 =	sld [smem:$0x3FA0]  }
0x1a: {  	s8 =	sadd.s32 $0xFFFFE003, lr  }
0x1b: {  	s9 =	sadd.s32 $0xFFFFFEF7, lr;
	s5 =	simm.s32 $0xFFFFFFFF;
	p2 =	slt.u32 s8, $0xFFFFF086  }
0x1c: {  	p1 =	slt.u32 s9, $0xF7A;
	s5 =	simm.s32 @!p2 $0x0  }
0x1d: {  	s5 =	simm.s32 @p1 $0x1;
	p0 =	seq.s32 s7, s2  }
0x1e: {  	s7 =	smul.u32 @!p0 $0xF7A, s2;
	p2 =	seq.s32 @!p0 s5, $0x0  }
0x1f: {  	s9 =	smul.u32 $0xF7A, s1;
	s8 =	simm.s32 @!p0 $0x1BF5;
	p2 =	por !p2, p0  }
0x20: {  	[sflag:s8] =	ssyncset.s32 @!p0 $0xFFFFF086;
	s6 =	sadd.s32 @!p0 s3, s7;
	s7 =	simm.s32 @!p0 $0x108  }
0x21: {  	s3 =	sadd.s32 s3, s9;
	s6 =	sadd.s32 @!p0 $0x88, s6;
	s7 =	simm.s32 @p2 $0x1082  }
0x22: {  	[simem:s7], [sflag:s8] =	dma.local @!p0 [hbm:s6], $0xF7A  }
0x23: {  	s9 =	sor.u32 $0xD0000000, s2;
	s6 =	simm.s32 $0x108;
	_ =	swait.ge @!p0 [sflag:s8], $0x0  }
0x24: {  	s3 =	sadd.s32 $0x88, s3;
	s6 =	simm.s32 @!p1 $0x1082;
	[sflag:s4] =	ssyncset.s32 $0xFFFFF086  }
0x25: {  	[simem:s6], [sflag:s4] =	dma.local [hbm:s3], $0xF7A  }
0x26: {  	[smem:$0x3FA0] =	sst s1;
	(tag) =	ssettag s2;
	_ =	strace s9  }
0x27: {  	s1 =	sld [smem:$0x3FB0]  }
0x28: {  	s2 =	sld [smem:$0x3FB1]  }
0x29: {  	s4 =	sld [smem:$0x3FB3]  }
0x2a: {  	p0 =	seq.s32 s5, $0x0;
	s5 =	sld [smem:$0x3FB4]  }
0x2b: {  	s6 =	sld [smem:$0x3FB5]  }
0x2c: {  	s7 =	sld [smem:$0x3FB6]  }
0x2d: {  	s3 =	simm.s32 $0x108;
	s8 =	sld [smem:$0x3FB7]  }
0x2e: {  	s3 =	simm.s32 @!p0 $0x1082;
	s9 =	sld [smem:$0x3FB8]  }
0x2f: {  	lr =	sadd.s32 s0, s3;
	s0 =	sld [smem:$0x3FAF]  }
0x30: {  	s3 =	sld [smem:$0x3FB2]  }
0x31: {  	[smem:$0x3FBB] =	sst s10  }
0x32: {  	s10 =	sld [smem:$0x3FB9];
	_ =	sdelay $0x3  }
0x33: {  	p0 =	seq.s32 s10, $0x1;
	s10 =	sld [smem:$0x3FBB];
	_ =	sdelay $0x3  }
0x34: {  	[smem:$0x3FBB] =	sst s10  }
0x35: {  	s10 =	sld [smem:$0x3FBA];
	_ =	sdelay $0x3  }
0x36: {  	p1 =	seq.s32 s10, $0x1;
	s10 =	sld [smem:$0x3FBB];
	_ =	sdelay $0x3  }
0x37: {  	[smem:$0x3FBB] =	sst s10  }
0x38: {  	s10 =	sld [smem:$0x3FBC]  }
0x39: {  	_ = 	snop;
	(pc) =	sbr.ind lr, $3  }
0x3a: {  	_ = 	snop  }
0x3b: {  	_ = 	snop  }
0x3c: {  	p2 =	seq.s32 s10, $0x1;
	s10 =	sld [smem:$0x3FBB]  }
0x3d: {  	_ =	shalt  }
0x3e: {  	_ =	shalt  }
0x3f: {  	_ =	shalt  }
0x40: {  	_ =	shalt  }
0x41: {  	_ =	shalt  }
0x42: {  	_ =	shalt  }
0x43: {  	_ =	shalt  }
0x44: {  	_ =	shalt  }
0x45: {  	_ =	shalt  }
0x46: {  	_ =	shalt  }
0x47: {  	_ =	shalt  }
0x48: {  	_ =	shalt  }
0x49: {  	_ =	shalt  }
0x4a: {  	_ =	shalt  }
0x4b: {  	_ =	shalt  }
0x4c: {  	_ =	shalt  }
0x4d: {  	_ =	shalt  }
0x4e: {  	_ =	shalt  }
0x4f: {  	_ =	shalt  }
0x50: {  	_ =	shalt  }
0x51: {  	_ =	shalt  }
0x52: {  	_ =	shalt  }
0x53: {  	_ =	shalt  }
0x54: {  	_ =	shalt  }
0x55: {  	_ =	shalt  }
0x56: {  	_ =	shalt  }
0x57: {  	_ =	shalt  }
0x58: {  	_ =	shalt  }
0x59: {  	_ =	shalt  }
0x5a: {  	_ =	shalt  }
0x5b: {  	_ =	shalt  }
0x5c: {  	_ =	shalt  }
0x5d: {  	_ =	shalt  }
0x5e: {  	_ =	shalt  }
0x5f: {  	_ =	shalt  }
0x60: {  	_ =	shalt  }
0x61: {  	_ =	shalt  }
0x62: {  	_ =	shalt  }
0x63: {  	_ =	shalt  }
0x64: {  	_ =	shalt  }
0x65: {  	_ =	shalt  }
0x66: {  	_ =	shalt  }
0x67: {  	_ =	shalt  }
0x68: {  	_ =	shalt  }
0x69: {  	_ =	shalt  }
0x6a: {  	_ =	shalt  }
0x6b: {  	_ =	shalt  }
0x6c: {  	_ =	shalt  }
0x6d: {  	_ =	shalt  }
0x6e: {  	_ =	shalt  }
0x6f: {  	_ =	shalt  }
0x70: {  	_ =	shalt  }
0x71: {  	_ =	shalt  }
0x72: {  	_ =	shalt  }
0x73: {  	_ =	shalt  }
0x74: {  	_ =	shalt  }
0x75: {  	_ =	shalt  }
0x76: {  	_ =	shalt  }
0x77: {  	_ =	shalt  }
0x78: {  	_ =	shalt  }
0x79: {  	_ =	shalt  }
0x7a: {  	_ =	shalt  }
0x7b: {  	_ =	shalt  }
0x7c: {  	_ =	shalt  }
0x7d: {  	_ =	shalt  }
0x7e: {  	_ =	shalt  }
0x7f: {  	_ =	shalt  }
0x80: {  	_ =	shalt  }
0x81: {  	_ =	shalt  }
0x82: {  	_ =	shalt  }
0x83: {  	_ =	shalt  }
0x84: {  	_ =	shalt  }
0x85: {  	_ =	shalt  }
0x86: {  	_ =	shalt  }
0x87: {  	_ =	shalt  }
.Lfunc_end0:
.L_simem_size_0:
called_computation_lowered:
.L_overlay_start_0:
0x88: {  	s2 =	sld [smem:$0x3FD9]  }
0x89: {  	s3 =	sld [smem:$0x3FFE];
	_ =	sdelay $0x1  }
0x8a: {  	s1 =	srdreg.scid  }
0x8b: {  	s0 =	sand.u32 $0x1, s1  }
0x8c: {  	s18 =	sshll.u32 s0, $0xA;
	s2 =	sadd.s32 s3, s2  }
0x8d: {  	s2 =	sadd.s32 s2, s18  }
0x8e: {  	[smem:$0x3FC7] =	sst s2  }
0x8f: {  	_ = 	snop  }
0x90: {  	s2 =	sld [smem:$0x3FC9]  }
0x91: {  	s19 =	sld [smem:$0x3FD0];
	(tm) =	ssettm $0x1  }
0x92: {  	s4 =	sld [smem:$0x3FFB];
	_ =	sdelay $0x3  }
0x93: {  	_ =	strace s4  }
0x94: {  	s4 =	sld [smem:$0x3FFC];
	_ =	sdelay $0x3  }
0x95: {  	_ =	strace s4  }
0x96: {  	s4 =	sld [smem:$0x3FFD];
	_ =	sdelay $0x3  }
0x97: {  	_ =	strace s4  }
0x98: {  	_ =	strace $0x8FFFFFFF  }
0x99: {  	s20 =	sld [smem:$0x3FDB];
	_ =	sdelay $0x1  }
0x9a: {  	s5 =	simm.s32 $_scs_section_size  }
0x9b: {  	s6 =	simm.s32 $_size__tile_overlayer_lowered;
	s7 =	simm.s32 $_tile_overlayer_lowered  }
0x9c: {  	s23 =	simm.s32 $0x1BFF;
	s22 =	sshll.u32 s7, $0x1;
	s4 =	sadd.s32 s5, s20  }
0x9d: {  	s8 =	simm.s32 $0x0;
	s21 =	sshll.u32 s6, $0x1;
	s6 =	sadd.s32 s22, s4  }
0x9e: {  	[timem:s8], [sflag:s23] =	dma.local [hbm:s6], s21  }
0x9f: {  	_ =	swait.ge [sflag:s23], s21  }
0xa0: {  	s5 =	ssub.s32 $0x0, s21;
	[sflag:s23] =	ssyncset.done $0x0  }
0xa1: {  	[sflag:s23] =	ssyncadd.s32 s5;
	_ =	sdelay $0x1  }
0xa2: {  	s24 =	simm.s32 $0x1B8B  }
0xa3: {  	_ =	swait.ge [sflag:s24], $0x1  }
0xa4: {  	[sflag:s24] =	ssyncset.done $0x0  }
0xa5: {  	s25 =	simm.s32 $0x1B8E;
	[sflag:s24] =	ssyncadd.s32 $0xFFFFFFFF  }
0xa6: {  	s26 =	simm.s32 $execute0_lowered;
	[smem:$0x3FD2] =	sst s25  }
0xa7: {  	s5 =	sshll.u32 s26, $0x1;
	_ =	strace $0x80000046;
	[dreg:$0x1] =	wrdreg $0xFFFFFFFF  }
0xa8: {  	s28 =	simm.s32 $_size_execute0_lowered;
	s4 =	sadd.s32 s4, s5;
	[dreg:$0x0] =	wrdreg $0x0  }
0xa9: {  	s5 =	sshll.u32 s28, $0x1;
	[dreg:$0x2] =	wrdreg s4  }
0xaa: {  	[dreg:$0x3] =	wrdreg s5  }
0xab: {  	[dreg:$0x4] =	wrdreg $0xC0  }
0xac: {  	_ =	task [dreg:s8], $0x5FFFF  }
0xad: {  	[dreg:$0x1] =	wrdreg $0xFFFFFFFF  }
0xae: {  	[dreg:$0x0] =	wrdreg $0x60  }
0xaf: {  	[dreg:$0x2] =	wrdreg s2  }
0xb0: {  	[dreg:$0x3] =	wrdreg s19  }
0xb1: {  	[dreg:$0x4] =	wrdreg $0x9  }
0xb2: {  	_ =	task.clear_ibuf [dreg:s8], $0x5FFFF;
	_ =	strace $0x90000046  }
0xb3: {  	s29 =	simm.s32 $0x9;
	_ =	strace $0x80000048  }
0xb4: {  	_ =	swait.ge [sflag:s29], $0x1  }
0xb5: {  	[sflag:s29] =	ssyncadd.s32 $0xFFFFFFFF  }
0xb6: {  	_ =	strace $0x90000048  }
0xb7: {  	_ =	sfence  }
0xb8: {  	s30 =	sld [smem:$0x0];
	_ =	sdelay $0x2  }
0xb9: {  	s31 =	sshll.u32 s1, $0xD;
	s1 =	sshrl.u32 s1, $0x2  }
0xba: {  	s3 =	sand.u32 $0x4000, s31;
	s1 =	sadd.s32 s1, s30  }
0xbb: {  	s0 =	sor.u32 s3, s0;
	s1 =	sshll.u32 s1, $0x11  }
0xbc: {  	s0 =	sor.u32 s1, s0  }
0xbd: {  	s0 =	sadd.s32 $0x8F2B, s0  }
0xbe: {  	[sflag:s0] =	ssyncadd.remote.s32 $0x1  }
0xbf: {  	_ =	sfence.sel $0xFFFF  }
0xc0: {  	[dreg:$0x0] =	wrdreg $0xFFFFFFFF;
	(pc) =	sbr.abs _section_cstart, $3  }
0xc1: {  	[dreg:$0x1] =	wrdreg $0xFFFFFFFF  }
0xc2: {  	_ =	task.clear_ibuf [dreg:s8], $0x2FFFF;
	_ =	strace $0x9FFFFFFF  }
0xc3: {  	(tm) =	ssettm $0x7FFFFFFF  }
tec
execute0_lowered:
.L_overlay_start_1:
0x0: {  	(tag) =	ssettag $0x1  }
0x1: {  	s1 =	srdreg.scid  }
0x2: {  	s3 =	rddreg [dreg:$0x0];
	s4 =	stileid.u32;
	s1 =	sand.u32 $0x1, s1  }
0x3: {  	s0 =	rddreg [dreg:$0x1];
	s4 =	sshll.u32 s4, $0x10;
	s5 =	sshll.u32 s1, $0xF  }
0x4: {  	s2 =	simm.s32 $0x0;
	p0 =	por $0x0, $0x0;
	s8 =	sor.u32 s5, s4  }
0x5: {  	[smem:$0x7FF] =	sst s2;
	s5 =	sadd.s32 s3, s8;
	s4 =	sadd.s32 s0, s8  }
0x6: {  	_ =	strace $0x80000047;
	[dreg:$0x3] =	wrdreg s5;
	s19 =	sadd.s32 $0x100000, s4  }
0x7: {  	s1 =	ssub.s32 $0x2, s1;
	s20 =	sadd.s32 $0x200000, s4;
	[dreg:$0x4] =	wrdreg s19  }
0x8: {  	s6 =	sor.u32 $0x1000, s8;
	s21 =	sadd.s32 $0x300000, s4;
	[dreg:$0x5] =	wrdreg s20  }
0x9: {  	s31 =	sor.u32 $0x2000, s8;
	s22 =	sadd.s32 s3, s6;
	[dreg:$0x6] =	wrdreg s21  }
0xa: {  	s13 =	sor.u32 $0x3000, s8;
	s23 =	sadd.s32 s0, s6;
	[dreg:$0x7] =	wrdreg s22  }
0xb: {  	s15 =	sor.u32 $0x4000, s8;
	s24 =	sadd.s32 $0x101000, s4;
	[dreg:$0x8] =	wrdreg s23  }
0xc: {  	s16 =	sor.u32 $0x5000, s8;
	s25 =	sadd.s32 $0x201000, s4;
	[dreg:$0x9] =	wrdreg s24  }
0xd: {  	s18 =	sor.u32 $0x6000, s8;
	s26 =	sadd.s32 $0x301000, s4;
	[dreg:$0xa] =	wrdreg s25  }
0xe: {  	s7 =	sadd.s32 s3, s31;
	s9 =	sadd.s32 s0, s31;
	[dreg:$0xb] =	wrdreg s26  }
0xf: {  	s10 =	sadd.s32 $0x102000, s4;
	s11 =	sadd.s32 $0x202000, s4;
	[dreg:$0xc] =	wrdreg s7  }
0x10: {  	s12 =	sadd.s32 $0x302000, s4;
	s14 =	sadd.s32 s3, s13;
	[dreg:$0xd] =	wrdreg s9  }
0x11: {  	s28 =	sadd.s32 $0x103000, s4;
	s29 =	sadd.s32 $0x203000, s4;
	[dreg:$0xe] =	wrdreg s10  }
0x12: {  	s30 =	sadd.s32 $0x303000, s4;
	s5 =	sadd.s32 s0, s16;
	[dreg:$0xf] =	wrdreg s11  }
0x13: {  	s17 =	sadd.s32 $0x105000, s4;
	s31 =	sor.u32 $0x7000, s8;
	[dreg:$0x10] =	wrdreg s12  }
0x14: {  	s8 =	sadd.s32 $0x307000, s4;
	s7 =	sshrl.u32 s1, $0x1;
	[dreg:$0x11] =	wrdreg s14  }
0x15: {  	s26 =	sadd.s32 s0, s13;
	s25 =	sadd.s32 s3, s15;
	s21 =	sadd.s32 s0, s15  }
0x16: {  	s22 =	sadd.s32 $0x104000, s4;
	s23 =	sadd.s32 $0x204000, s4;
	s24 =	sadd.s32 $0x304000, s4  }
0x17: {  	s20 =	sadd.s32 s3, s16;
	[dreg:$0x13] =	wrdreg s5;
	s1 =	ssub.s32 s1, s7  }
0x18: {  	[dreg:$0x14] =	wrdreg s17;
	s19 =	sadd.s32 $0x205000, s4;
	s1 =	smax.u32 s1, $0x1  }
0x19: {  	s15 =	sadd.s32 s3, s18;
	s12 =	sadd.s32 s0, s18;
	p1 =	sne.s32 s1, $0x1  }
.Ltmp0:
0x1a: {  	s17 =	sadd.s32 $0x106000, s4;
	s13 =	sadd.s32 $0x206000, s4;
	(pc) =	sbr.rel @!p1 .LBB2_3-.Ltmp0, $4  }
0x1b: {  	s6 =	sadd.s32 s3, s31;
	s5 =	sadd.s32 s0, s31;
	s14 =	sadd.s32 $0x306000, s4  }
0x1c: {  	s18 =	sadd.s32 $0x107000, s4;
	s10 =	simm.s32 $0x1;
	s9 =	simm.s32 $0x8000  }
0x1d: {  	s3 =	simm.s32 $0x2;
	[dreg:$0x15] =	wrdreg s19;
	s19 =	sadd.s32 $0x305000, s4  }
0x1e: {  	s7 =	sadd.s32 $0x207000, s4;
	s11 =	sadd.s32 $0xFFFFFFFF, s1;
	s1 =	rddreg [dreg:$0x3]  }
0x1f: {  	[tilespmem:s2], [sflag:$0x1] =	stream.linear.gather [hbm4b:s1+s2], $0x8000, $0x38;
	[tilespmem:$0x10000] =	vst v63  }
0x20: {  	_ =	swait.ge [sflag:s10], $0x8000  }
0x21: {  	[sflag:s10] =	ssyncset.done $0x0  }
0x22: {  	[sflag:s10] =	ssyncadd.s32 $0xFFFF8000  }
0x23: {  	[hbm4b:s4+s2] =	stream.linear.scatter [tilespmem:s2], [sflag:$0x2], $0x8000, $0x38;
	[tilespmem:$0x10000] =	vst v63  }
0x24: {  	s16 =	rddreg [dreg:$0x4]  }
0x25: {  	[hbm4b:s16+s2] =	stream.linear.scatter [tilespmem:s2], [sflag:$0x2], $0x8000, $0x38;
	[tilespmem:$0x10000] =	vst v63  }
0x26: {  	s0 =	rddreg [dreg:$0x5]  }
0x27: {  	[hbm4b:s0+s2] =	stream.linear.scatter [tilespmem:s2], [sflag:$0x2], $0x8000, $0x38;
	[tilespmem:$0x10000] =	vst v63  }
0x28: {  	s1 =	rddreg [dreg:$0x6]  }
0x29: {  	[hbm4b:s1+s2] =	stream.linear.scatter [tilespmem:s2], [sflag:$0x2], $0x8000, $0x38;
	[tilespmem:$0x10000] =	vst v63  }
0x2a: {  	s16 =	rddreg [dreg:$0x7]  }
0x2b: {  	[tilespmem:s9], [sflag:$0x1] =	stream.linear.gather [hbm4b:s16+s2], $0x8000, $0x38;
	[tilespmem:$0x10000] =	vst v63  }
0x2c: {  	_ =	swait.ge [sflag:s10], $0x8000  }
0x2d: {  	[sflag:s10] =	ssyncset.done $0x0  }
0x2e: {  	s1 =	rddreg [dreg:$0x8];
	[sflag:s10] =	ssyncadd.s32 $0xFFFF8000  }
0x2f: {  	[hbm4b:s1+s2] =	stream.linear.scatter [tilespmem:s9], [sflag:$0x2], $0x8000, $0x38;
	[tilespmem:$0x10000] =	vst v63  }
0x30: {  	s16 =	rddreg [dreg:$0x9]  }
0x31: {  	[hbm4b:s16+s2] =	stream.linear.scatter [tilespmem:s9], [sflag:$0x2], $0x8000, $0x38;
	[tilespmem:$0x10000] =	vst v63  }
0x32: {  	s0 =	rddreg [dreg:$0xa]  }
0x33: {  	[hbm4b:s0+s2] =	stream.linear.scatter [tilespmem:s9], [sflag:$0x2], $0x8000, $0x38;
	[tilespmem:$0x10000] =	vst v63  }
0x34: {  	s16 =	rddreg [dreg:$0xb]  }
0x35: {  	[hbm4b:s16+s2] =	stream.linear.scatter [tilespmem:s9], [sflag:$0x2], $0x8000, $0x38;
	[tilespmem:$0x10000] =	vst v63  }
0x36: {  	_ =	swait.ge [sflag:s3], $0x8000  }
0x37: {  	[sflag:s3] =	ssyncset.done $0x0  }
0x38: {  	[sflag:s3] =	ssyncadd.s32 $0xFFFF8000  }
0x39: {  	_ =	swait.ge [sflag:s3], $0x8000  }
0x3a: {  	[sflag:s3] =	ssyncset.done $0x0  }
0x3b: {  	[sflag:s3] =	ssyncadd.s32 $0xFFFF8000  }
0x3c: {  	_ =	swait.ge [sflag:s3], $0x8000  }
0x3d: {  	[sflag:s3] =	ssyncset.done $0x0  }
0x3e: {  	[sflag:s3] =	ssyncadd.s32 $0xFFFF8000  }
0x3f: {  	_ =	swait.ge [sflag:s3], $0x8000  }
0x40: {  	[sflag:s3] =	ssyncset.done $0x0  }
0x41: {  	s16 =	rddreg [dreg:$0xc];
	[sflag:s3] =	ssyncadd.s32 $0xFFFF8000  }
0x42: {  	[tilespmem:s2], [sflag:$0x1] =	stream.linear.gather [hbm4b:s16+s2], $0x8000, $0x38;
	[tilespmem:$0x10000] =	vst v63  }
0x43: {  	_ =	swait.ge [sflag:s10], $0x8000  }
0x44: {  	[sflag:s10] =	ssyncset.done $0x0  }
0x45: {  	s1 =	rddreg [dreg:$0xd];
	[sflag:s10] =	ssyncadd.s32 $0xFFFF8000  }
0x46: {  	[hbm4b:s1+s2] =	stream.linear.scatter [tilespmem:s2], [sflag:$0x2], $0x8000, $0x38;
	[tilespmem:$0x10000] =	vst v63  }
0x47: {  	s16 =	rddreg [dreg:$0xe]  }
0x48: {  	[hbm4b:s16+s2] =	stream.linear.scatter [tilespmem:s2], [sflag:$0x2], $0x8000, $0x38;
	[tilespmem:$0x10000] =	vst v63  }
0x49: {  	s0 =	rddreg [dreg:$0xf]  }
0x4a: {  	[hbm4b:s0+s2] =	stream.linear.scatter [tilespmem:s2], [sflag:$0x2], $0x8000, $0x38;
	[tilespmem:$0x10000] =	vst v63  }
0x4b: {  	s16 =	rddreg [dreg:$0x10]  }
0x4c: {  	[hbm4b:s16+s2] =	stream.linear.scatter [tilespmem:s2], [sflag:$0x2], $0x8000, $0x38;
	[tilespmem:$0x10000] =	vst v63  }
0x4d: {  	_ =	swait.ge [sflag:s3], $0x8000  }
0x4e: {  	[sflag:s3] =	ssyncset.done $0x0  }
0x4f: {  	[sflag:s3] =	ssyncadd.s32 $0xFFFF8000  }
0x50: {  	_ =	swait.ge [sflag:s3], $0x8000  }
0x51: {  	[sflag:s3] =	ssyncset.done $0x0  }
0x52: {  	[sflag:s3] =	ssyncadd.s32 $0xFFFF8000  }
0x53: {  	_ =	swait.ge [sflag:s3], $0x8000  }
0x54: {  	[sflag:s3] =	ssyncset.done $0x0  }
0x55: {  	[sflag:s3] =	ssyncadd.s32 $0xFFFF8000  }
0x56: {  	_ =	swait.ge [sflag:s3], $0x8000  }
0x57: {  	[sflag:s3] =	ssyncset.done $0x0  }
0x58: {  	s1 =	rddreg [dreg:$0x11];
	[sflag:s3] =	ssyncadd.s32 $0xFFFF8000  }
0x59: {  	[tilespmem:s9], [sflag:$0x1] =	stream.linear.gather [hbm4b:s1+s2], $0x8000, $0x38;
	[tilespmem:$0x10000] =	vst v63  }
0x5a: {  	_ =	swait.ge [sflag:s10], $0x8000  }
0x5b: {  	[sflag:s10] =	ssyncset.done $0x0  }
0x5c: {  	[sflag:s10] =	ssyncadd.s32 $0xFFFF8000  }
0x5d: {  	[hbm4b:s26+s2] =	stream.linear.scatter [tilespmem:s9], [sflag:$0x2], $0x8000, $0x38;
	[tilespmem:$0x10000] =	vst v63  }
0x5e: {  	_ = 	snop  }
0x5f: {  	[hbm4b:s28+s2] =	stream.linear.scatter [tilespmem:s9], [sflag:$0x2], $0x8000, $0x38;
	[tilespmem:$0x10000] =	vst v63  }
0x60: {  	_ = 	snop  }
0x61: {  	[hbm4b:s29+s2] =	stream.linear.scatter [tilespmem:s9], [sflag:$0x2], $0x8000, $0x38;
	[tilespmem:$0x10000] =	vst v63  }
0x62: {  	_ = 	snop  }
0x63: {  	[hbm4b:s30+s2] =	stream.linear.scatter [tilespmem:s9], [sflag:$0x2], $0x8000, $0x38;
	[tilespmem:$0x10000] =	vst v63  }
0x64: {  	_ =	swait.ge [sflag:s3], $0x8000  }
0x65: {  	[sflag:s3] =	ssyncset.done $0x0  }
0x66: {  	[sflag:s3] =	ssyncadd.s32 $0xFFFF8000  }
0x67: {  	_ =	swait.ge [sflag:s3], $0x8000  }
0x68: {  	[sflag:s3] =	ssyncset.done $0x0  }
0x69: {  	[sflag:s3] =	ssyncadd.s32 $0xFFFF8000  }
0x6a: {  	_ =	swait.ge [sflag:s3], $0x8000  }
0x6b: {  	[sflag:s3] =	ssyncset.done $0x0  }
0x6c: {  	[sflag:s3] =	ssyncadd.s32 $0xFFFF8000  }
0x6d: {  	_ =	swait.ge [sflag:s3], $0x8000  }
0x6e: {  	[sflag:s3] =	ssyncset.done $0x0  }
0x6f: {  	[sflag:s3] =	ssyncadd.s32 $0xFFFF8000  }
0x70: {  	[tilespmem:s2], [sflag:$0x1] =	stream.linear.gather [hbm4b:s25+s2], $0x8000, $0x38;
	[tilespmem:$0x10000] =	vst v63  }
0x71: {  	_ =	swait.ge [sflag:s10], $0x8000  }
0x72: {  	[sflag:s10] =	ssyncset.done $0x0  }
0x73: {  	[sflag:s10] =	ssyncadd.s32 $0xFFFF8000  }
0x74: {  	[hbm4b:s21+s2] =	stream.linear.scatter [tilespmem:s2], [sflag:$0x2], $0x8000, $0x38;
	[tilespmem:$0x10000] =	vst v63  }
0x75: {  	_ = 	snop  }
0x76: {  	[hbm4b:s22+s2] =	stream.linear.scatter [tilespmem:s2], [sflag:$0x2], $0x8000, $0x38;
	[tilespmem:$0x10000] =	vst v63  }
0x77: {  	_ = 	snop  }
0x78: {  	[hbm4b:s23+s2] =	stream.linear.scatter [tilespmem:s2], [sflag:$0x2], $0x8000, $0x38;
	[tilespmem:$0x10000] =	vst v63  }
0x79: {  	_ = 	snop  }
0x7a: {  	[hbm4b:s24+s2] =	stream.linear.scatter [tilespmem:s2], [sflag:$0x2], $0x8000, $0x38;
	[tilespmem:$0x10000] =	vst v63  }
0x7b: {  	_ =	swait.ge [sflag:s3], $0x8000  }
0x7c: {  	[sflag:s3] =	ssyncset.done $0x0  }
0x7d: {  	[sflag:s3] =	ssyncadd.s32 $0xFFFF8000  }
0x7e: {  	_ =	swait.ge [sflag:s3], $0x8000  }
0x7f: {  	[sflag:s3] =	ssyncset.done $0x0  }
0x80: {  	[sflag:s3] =	ssyncadd.s32 $0xFFFF8000  }
0x81: {  	_ =	swait.ge [sflag:s3], $0x8000  }
0x82: {  	[sflag:s3] =	ssyncset.done $0x0  }
0x83: {  	[sflag:s3] =	ssyncadd.s32 $0xFFFF8000  }
0x84: {  	_ =	swait.ge [sflag:s3], $0x8000  }
0x85: {  	[sflag:s3] =	ssyncset.done $0x0  }
0x86: {  	[sflag:s3] =	ssyncadd.s32 $0xFFFF8000  }
0x87: {  	[tilespmem:s9], [sflag:$0x1] =	stream.linear.gather [hbm4b:s20+s2], $0x8000, $0x38;
	[tilespmem:$0x10000] =	vst v63  }
0x88: {  	_ =	swait.ge [sflag:s10], $0x8000  }
0x89: {  	[sflag:s10] =	ssyncset.done $0x0  }
0x8a: {  	s16 =	rddreg [dreg:$0x13];
	[sflag:s10] =	ssyncadd.s32 $0xFFFF8000  }
0x8b: {  	[hbm4b:s16+s2] =	stream.linear.scatter [tilespmem:s9], [sflag:$0x2], $0x8000, $0x38;
	[tilespmem:$0x10000] =	vst v63  }
0x8c: {  	s1 =	rddreg [dreg:$0x14]  }
0x8d: {  	[hbm4b:s1+s2] =	stream.linear.scatter [tilespmem:s9], [sflag:$0x2], $0x8000, $0x38;
	[tilespmem:$0x10000] =	vst v63  }
0x8e: {  	s16 =	rddreg [dreg:$0x15]  }
0x8f: {  	[hbm4b:s16+s2] =	stream.linear.scatter [tilespmem:s9], [sflag:$0x2], $0x8000, $0x38;
	[tilespmem:$0x10000] =	vst v63  }
0x90: {  	_ = 	snop  }
0x91: {  	[hbm4b:s19+s2] =	stream.linear.scatter [tilespmem:s9], [sflag:$0x2], $0x8000, $0x38;
	[tilespmem:$0x10000] =	vst v63  }
0x92: {  	_ =	swait.ge [sflag:s3], $0x8000  }
0x93: {  	[sflag:s3] =	ssyncset.done $0x0  }
0x94: {  	[sflag:s3] =	ssyncadd.s32 $0xFFFF8000  }
0x95: {  	_ =	swait.ge [sflag:s3], $0x8000  }
0x96: {  	[sflag:s3] =	ssyncset.done $0x0  }
0x97: {  	[sflag:s3] =	ssyncadd.s32 $0xFFFF8000  }
0x98: {  	_ =	swait.ge [sflag:s3], $0x8000  }
0x99: {  	[sflag:s3] =	ssyncset.done $0x0  }
0x9a: {  	[sflag:s3] =	ssyncadd.s32 $0xFFFF8000  }
0x9b: {  	_ =	swait.ge [sflag:s3], $0x8000  }
0x9c: {  	[sflag:s3] =	ssyncset.done $0x0  }
0x9d: {  	[sflag:s3] =	ssyncadd.s32 $0xFFFF8000  }
0x9e: {  	[tilespmem:s2], [sflag:$0x1] =	stream.linear.gather [hbm4b:s15+s2], $0x8000, $0x38;
	[tilespmem:$0x10000] =	vst v63  }
0x9f: {  	_ =	swait.ge [sflag:s10], $0x8000  }
0xa0: {  	[sflag:s10] =	ssyncset.done $0x0  }
0xa1: {  	[sflag:s10] =	ssyncadd.s32 $0xFFFF8000  }
0xa2: {  	[hbm4b:s12+s2] =	stream.linear.scatter [tilespmem:s2], [sflag:$0x2], $0x8000, $0x38;
	[tilespmem:$0x10000] =	vst v63  }
0xa3: {  	_ = 	snop  }
0xa4: {  	[hbm4b:s17+s2] =	stream.linear.scatter [tilespmem:s2], [sflag:$0x2], $0x8000, $0x38;
	[tilespmem:$0x10000] =	vst v63  }
0xa5: {  	_ = 	snop  }
0xa6: {  	[hbm4b:s13+s2] =	stream.linear.scatter [tilespmem:s2], [sflag:$0x2], $0x8000, $0x38;
	[tilespmem:$0x10000] =	vst v63  }
0xa7: {  	_ = 	snop  }
0xa8: {  	[hbm4b:s14+s2] =	stream.linear.scatter [tilespmem:s2], [sflag:$0x2], $0x8000, $0x38;
	[tilespmem:$0x10000] =	vst v63  }
0xa9: {  	_ =	swait.ge [sflag:s3], $0x8000  }
0xaa: {  	[sflag:s3] =	ssyncset.done $0x0  }
0xab: {  	[sflag:s3] =	ssyncadd.s32 $0xFFFF8000  }
0xac: {  	_ =	swait.ge [sflag:s3], $0x8000  }
0xad: {  	[sflag:s3] =	ssyncset.done $0x0  }
0xae: {  	[sflag:s3] =	ssyncadd.s32 $0xFFFF8000  }
0xaf: {  	_ =	swait.ge [sflag:s3], $0x8000  }
0xb0: {  	[sflag:s3] =	ssyncset.done $0x0  }
0xb1: {  	[sflag:s3] =	ssyncadd.s32 $0xFFFF8000  }
0xb2: {  	_ =	swait.ge [sflag:s3], $0x8000  }
0xb3: {  	[sflag:s3] =	ssyncset.done $0x0  }
0xb4: {  	[sflag:s3] =	ssyncadd.s32 $0xFFFF8000  }
0xb5: {  	[tilespmem:s9], [sflag:$0x1] =	stream.linear.gather [hbm4b:s6+s2], $0x8000, $0x38;
	[tilespmem:$0x10000] =	vst v63  }
0xb6: {  	_ =	swait.ge [sflag:s10], $0x8000  }
0xb7: {  	[sflag:s10] =	ssyncset.done $0x0  }
0xb8: {  	[sflag:s10] =	ssyncadd.s32 $0xFFFF8000  }
0xb9: {  	[hbm4b:s5+s2] =	stream.linear.scatter [tilespmem:s9], [sflag:$0x2], $0x8000, $0x38;
	[tilespmem:$0x10000] =	vst v63  }
0xba: {  	_ = 	snop  }
0xbb: {  	[hbm4b:s18+s2] =	stream.linear.scatter [tilespmem:s9], [sflag:$0x2], $0x8000, $0x38;
	[tilespmem:$0x10000] =	vst v63  }
0xbc: {  	_ = 	snop  }
0xbd: {  	[hbm4b:s7+s2] =	stream.linear.scatter [tilespmem:s9], [sflag:$0x2], $0x8000, $0x38;
	[tilespmem:$0x10000] =	vst v63  }
0xbe: {  	_ = 	snop  }
0xbf: {  	[hbm4b:s8+s2] =	stream.linear.scatter [tilespmem:s9], [sflag:$0x2], $0x8000, $0x38;
	[tilespmem:$0x10000] =	vst v63  }
0xc0: {  	_ =	swait.ge [sflag:s3], $0x8000  }
0xc1: {  	[sflag:s3] =	ssyncset.done $0x0  }
0xc2: {  	[sflag:s3] =	ssyncadd.s32 $0xFFFF8000  }
0xc3: {  	_ =	swait.ge [sflag:s3], $0x8000  }
0xc4: {  	[sflag:s3] =	ssyncset.done $0x0  }
0xc5: {  	[sflag:s3] =	ssyncadd.s32 $0xFFFF8000  }
0xc6: {  	_ =	swait.ge [sflag:s3], $0x8000  }
0xc7: {  	[sflag:s3] =	ssyncset.done $0x0  }
0xc8: {  	[sflag:s3] =	ssyncadd.s32 $0xFFFF8000  }
0xc9: {  	_ =	swait.ge [sflag:s3], $0x8000  }
0xca: {  	[sflag:s3] =	ssyncset.done $0x0  }
0xcb: {  	[sflag:s3] =	ssyncadd.s32 $0xFFFF8000  }
0xcc: {  	_ =	swait.ge [sflag:s3], $0x8000  }
0xcd: {  	[sflag:s3] =	ssyncset.done $0x0  }
0xce: {  	[sflag:s3] =	ssyncadd.s32 $0xFFFF8000  }
0xcf: {  	_ =	swait.ge [sflag:s3], $0x8000  }
0xd0: {  	[sflag:s3] =	ssyncset.done $0x0  }
0xd1: {  	p1 =	sne.s32 s11, $0x1;
	[sflag:s3] =	ssyncadd.s32 $0xFFFF8000  }
.Ltmp1:
0xd2: {  	_ =	swait.ge [sflag:s3], $0x8000;
	(pc) =	sbr.rel @!p1 .LBB2_3-.Ltmp1, $4  }
0xd3: {  	[sflag:s3] =	ssyncset.done $0x0  }
0xd4: {  	[sflag:s3] =	ssyncadd.s32 $0xFFFF8000  }
0xd5: {  	s31 =	sadd.s32 $0xFFFFFFFF, s11;
	_ =	swait.ge [sflag:s3], $0x8000;
	[dreg:$0x12] =	wrdreg s4  }
0xd6: {  	p0 =	por $0x1, $0x1;
	s1 =	rddreg [dreg:$0x3];
	[sflag:s3] =	ssyncset.done $0x0  }
.LBB2_2:
0xd7: {  	[sflag:s3] =	ssyncadd.s32 $0xFFFF8000;
	s0 =	simm.s32 $0x1  }
0xd8: {  	[tilespmem:s2], [sflag:$0x1] =	stream.linear.gather [hbm4b:s1+s2], $0x8000, $0x38;
	[tilespmem:$0x10000] =	vst v63  }
0xd9: {  	s9 =	smov.u32 s30;
	s30 =	smov.u32 s29;
	_ =	swait.ge [sflag:s10], $0x8000  }
0xda: {  	s29 =	smov.u32 s28;
	s28 =	smov.u32 s26;
	[sflag:s10] =	ssyncset.done $0x0  }
0xdb: {  	s26 =	smov.u32 s25;
	s25 =	smov.u32 s24;
	[sflag:s10] =	ssyncadd.s32 $0xFFFF8000  }
0xdc: {  	[hbm4b:s4+s2] =	stream.linear.scatter [tilespmem:s2], [sflag:$0x2], $0x8000, $0x38;
	[tilespmem:$0x10000] =	vst v63  }
0xdd: {  	s24 =	smov.u32 s23;
	s23 =	smov.u32 s22;
	s1 =	rddreg [dreg:$0x4]  }
0xde: {  	[hbm4b:s1+s2] =	stream.linear.scatter [tilespmem:s2], [sflag:$0x2], $0x8000, $0x38;
	[tilespmem:$0x10000] =	vst v63  }
0xdf: {  	s11 =	smov.u32 s8;
	s8 =	smov.u32 s7;
	s7 =	rddreg [dreg:$0x5]  }
0xe0: {  	[hbm4b:s7+s2] =	stream.linear.scatter [tilespmem:s2], [sflag:$0x2], $0x8000, $0x38;
	[tilespmem:$0x10000] =	vst v63  }
0xe1: {  	s16 =	smov.u32 s14;
	s14 =	smov.u32 s13;
	s13 =	rddreg [dreg:$0x6]  }
0xe2: {  	[hbm4b:s13+s2] =	stream.linear.scatter [tilespmem:s2], [sflag:$0x2], $0x8000, $0x38;
	[tilespmem:$0x10000] =	vst v63  }
0xe3: {  	s22 =	smov.u32 s21;
	s21 =	rddreg [dreg:$0x7];
	s10 =	simm.s32 $0x8000  }
0xe4: {  	[tilespmem:s10], [sflag:$0x1] =	stream.linear.gather [hbm4b:s21+s2], $0x8000, $0x38;
	[tilespmem:$0x10000] =	vst v63  }
0xe5: {  	_ =	swait.ge [sflag:s0], $0x8000  }
0xe6: {  	[sflag:s0] =	ssyncset.done $0x0  }
0xe7: {  	s4 =	rddreg [dreg:$0x8];
	[sflag:s0] =	ssyncadd.s32 $0xFFFF8000  }
0xe8: {  	[hbm4b:s4+s2] =	stream.linear.scatter [tilespmem:s10], [sflag:$0x2], $0x8000, $0x38;
	[tilespmem:$0x10000] =	vst v63  }
0xe9: {  	s7 =	rddreg [dreg:$0x9]  }
0xea: {  	[hbm4b:s7+s2] =	stream.linear.scatter [tilespmem:s10], [sflag:$0x2], $0x8000, $0x38;
	[tilespmem:$0x10000] =	vst v63  }
0xeb: {  	s13 =	rddreg [dreg:$0xa]  }
0xec: {  	[hbm4b:s13+s2] =	stream.linear.scatter [tilespmem:s10], [sflag:$0x2], $0x8000, $0x38;
	[tilespmem:$0x10000] =	vst v63  }
0xed: {  	s21 =	rddreg [dreg:$0xb]  }
0xee: {  	[hbm4b:s21+s2] =	stream.linear.scatter [tilespmem:s10], [sflag:$0x2], $0x8000, $0x38;
	[tilespmem:$0x10000] =	vst v63  }
0xef: {  	_ =	swait.ge [sflag:s3], $0x8000  }
0xf0: {  	[sflag:s3] =	ssyncset.done $0x0  }
0xf1: {  	[sflag:s3] =	ssyncadd.s32 $0xFFFF8000  }
0xf2: {  	_ =	swait.ge [sflag:s3], $0x8000  }
0xf3: {  	[sflag:s3] =	ssyncset.done $0x0  }
0xf4: {  	[sflag:s3] =	ssyncadd.s32 $0xFFFF8000  }
0xf5: {  	_ =	swait.ge [sflag:s3], $0x8000  }
0xf6: {  	[sflag:s3] =	ssyncset.done $0x0  }
0xf7: {  	[sflag:s3] =	ssyncadd.s32 $0xFFFF8000  }
0xf8: {  	_ =	swait.ge [sflag:s3], $0x8000  }
0xf9: {  	[sflag:s3] =	ssyncset.done $0x0  }
0xfa: {  	s10 =	simm.s32 $0x1;
	s0 =	rddreg [dreg:$0xc];
	[sflag:s3] =	ssyncadd.s32 $0xFFFF8000  }
0xfb: {  	[tilespmem:s2], [sflag:$0x1] =	stream.linear.gather [hbm4b:s0+s2], $0x8000, $0x38;
	[tilespmem:$0x10000] =	vst v63  }
0xfc: {  	_ =	swait.ge [sflag:s10], $0x8000  }
0xfd: {  	s4 =	rddreg [dreg:$0xd]  }
0xfe: {  	s7 =	rddreg [dreg:$0xe]  }
0xff: {  	s0 =	smov.u32 s5;
	[sflag:s10] =	ssyncset.done $0x0;
	s13 =	rddreg [dreg:$0xf]  }
0x100: {  	s5 =	smov.u32 s6;
	s21 =	rddreg [dreg:$0x10];
	[sflag:s10] =	ssyncadd.s32 $0xFFFF8000  }
0x101: {  	[hbm4b:s4+s2] =	stream.linear.scatter [tilespmem:s2], [sflag:$0x2], $0x8000, $0x38;
	[tilespmem:$0x10000] =	vst v63  }
0x102: {  	s6 =	smov.u32 s12;
	s12 =	smov.u32 s15;
	s15 =	rddreg [dreg:$0x13]  }
0x103: {  	[hbm4b:s7+s2] =	stream.linear.scatter [tilespmem:s2], [sflag:$0x2], $0x8000, $0x38;
	[tilespmem:$0x10000] =	vst v63  }
0x104: {  	s4 =	rddreg [dreg:$0x12]  }
0x105: {  	[hbm4b:s13+s2] =	stream.linear.scatter [tilespmem:s2], [sflag:$0x2], $0x8000, $0x38;
	[tilespmem:$0x10000] =	vst v63  }
0x106: {  	s7 =	smov.u32 s18;
	s18 =	rddreg [dreg:$0x15]  }
0x107: {  	[hbm4b:s21+s2] =	stream.linear.scatter [tilespmem:s2], [sflag:$0x2], $0x8000, $0x38;
	[tilespmem:$0x10000] =	vst v63  }
0x108: {  	s13 =	smov.u32 s17;
	s17 =	rddreg [dreg:$0x14];
	_ =	swait.ge [sflag:s3], $0x8000  }
0x109: {  	[sflag:s3] =	ssyncset.done $0x0  }
0x10a: {  	[sflag:s3] =	ssyncadd.s32 $0xFFFF8000  }
0x10b: {  	_ =	swait.ge [sflag:s3], $0x8000  }
0x10c: {  	[sflag:s3] =	ssyncset.done $0x0  }
0x10d: {  	[sflag:s3] =	ssyncadd.s32 $0xFFFF8000  }
0x10e: {  	s21 =	smov.u32 s22;
	_ =	swait.ge [sflag:s3], $0x8000  }
0x10f: {  	s22 =	smov.u32 s23;
	s23 =	smov.u32 s24;
	[sflag:s3] =	ssyncset.done $0x0  }
0x110: {  	s24 =	smov.u32 s25;
	s25 =	smov.u32 s26;
	[sflag:s3] =	ssyncadd.s32 $0xFFFF8000  }
0x111: {  	s26 =	smov.u32 s28;
	s28 =	smov.u32 s29;
	_ =	swait.ge [sflag:s3], $0x8000  }
0x112: {  	s29 =	smov.u32 s30;
	s30 =	smov.u32 s9;
	[sflag:s3] =	ssyncset.done $0x0  }
0x113: {  	s9 =	simm.s32 $0x8000;
	s1 =	rddreg [dreg:$0x11];
	[sflag:s3] =	ssyncadd.s32 $0xFFFF8000  }
0x114: {  	[tilespmem:s9], [sflag:$0x1] =	stream.linear.gather [hbm4b:s1+s2], $0x8000, $0x38;
	[tilespmem:$0x10000] =	vst v63  }
0x115: {  	_ =	swait.ge [sflag:s10], $0x8000  }
0x116: {  	[sflag:s10] =	ssyncset.done $0x0  }
0x117: {  	[sflag:s10] =	ssyncadd.s32 $0xFFFF8000  }
0x118: {  	[hbm4b:s26+s2] =	stream.linear.scatter [tilespmem:s9], [sflag:$0x2], $0x8000, $0x38;
	[tilespmem:$0x10000] =	vst v63  }
0x119: {  	_ = 	snop  }
0x11a: {  	[hbm4b:s28+s2] =	stream.linear.scatter [tilespmem:s9], [sflag:$0x2], $0x8000, $0x38;
	[tilespmem:$0x10000] =	vst v63  }
0x11b: {  	_ = 	snop  }
0x11c: {  	[hbm4b:s29+s2] =	stream.linear.scatter [tilespmem:s9], [sflag:$0x2], $0x8000, $0x38;
	[tilespmem:$0x10000] =	vst v63  }
0x11d: {  	_ = 	snop  }
0x11e: {  	[hbm4b:s30+s2] =	stream.linear.scatter [tilespmem:s9], [sflag:$0x2], $0x8000, $0x38;
	[tilespmem:$0x10000] =	vst v63  }
0x11f: {  	_ =	swait.ge [sflag:s3], $0x8000  }
0x120: {  	[sflag:s3] =	ssyncset.done $0x0  }
0x121: {  	[sflag:s3] =	ssyncadd.s32 $0xFFFF8000  }
0x122: {  	_ =	swait.ge [sflag:s3], $0x8000  }
0x123: {  	[sflag:s3] =	ssyncset.done $0x0  }
0x124: {  	[sflag:s3] =	ssyncadd.s32 $0xFFFF8000  }
0x125: {  	_ =	swait.ge [sflag:s3], $0x8000  }
0x126: {  	[sflag:s3] =	ssyncset.done $0x0  }
0x127: {  	[sflag:s3] =	ssyncadd.s32 $0xFFFF8000  }
0x128: {  	_ =	swait.ge [sflag:s3], $0x8000  }
0x129: {  	[sflag:s3] =	ssyncset.done $0x0  }
0x12a: {  	[sflag:s3] =	ssyncadd.s32 $0xFFFF8000  }
0x12b: {  	[tilespmem:s2], [sflag:$0x1] =	stream.linear.gather [hbm4b:s25+s2], $0x8000, $0x38;
	[tilespmem:$0x10000] =	vst v63  }
0x12c: {  	_ =	swait.ge [sflag:s10], $0x8000  }
0x12d: {  	[sflag:s10] =	ssyncset.done $0x0  }
0x12e: {  	[sflag:s10] =	ssyncadd.s32 $0xFFFF8000  }
0x12f: {  	[hbm4b:s21+s2] =	stream.linear.scatter [tilespmem:s2], [sflag:$0x2], $0x8000, $0x38;
	[tilespmem:$0x10000] =	vst v63  }
0x130: {  	_ = 	snop  }
0x131: {  	[hbm4b:s22+s2] =	stream.linear.scatter [tilespmem:s2], [sflag:$0x2], $0x8000, $0x38;
	[tilespmem:$0x10000] =	vst v63  }
0x132: {  	_ = 	snop  }
0x133: {  	[hbm4b:s23+s2] =	stream.linear.scatter [tilespmem:s2], [sflag:$0x2], $0x8000, $0x38;
	[tilespmem:$0x10000] =	vst v63  }
0x134: {  	_ = 	snop  }
0x135: {  	[hbm4b:s24+s2] =	stream.linear.scatter [tilespmem:s2], [sflag:$0x2], $0x8000, $0x38;
	[tilespmem:$0x10000] =	vst v63  }
0x136: {  	_ =	swait.ge [sflag:s3], $0x8000  }
0x137: {  	[sflag:s3] =	ssyncset.done $0x0  }
0x138: {  	[sflag:s3] =	ssyncadd.s32 $0xFFFF8000  }
0x139: {  	_ =	swait.ge [sflag:s3], $0x8000  }
0x13a: {  	[sflag:s3] =	ssyncset.done $0x0  }
0x13b: {  	[sflag:s3] =	ssyncadd.s32 $0xFFFF8000  }
0x13c: {  	_ =	swait.ge [sflag:s3], $0x8000  }
0x13d: {  	[sflag:s3] =	ssyncset.done $0x0  }
0x13e: {  	[sflag:s3] =	ssyncadd.s32 $0xFFFF8000  }
0x13f: {  	_ =	swait.ge [sflag:s3], $0x8000  }
0x140: {  	[sflag:s3] =	ssyncset.done $0x0  }
0x141: {  	[sflag:s3] =	ssyncadd.s32 $0xFFFF8000  }
0x142: {  	[tilespmem:s9], [sflag:$0x1] =	stream.linear.gather [hbm4b:s20+s2], $0x8000, $0x38;
	[tilespmem:$0x10000] =	vst v63  }
0x143: {  	_ =	swait.ge [sflag:s10], $0x8000  }
0x144: {  	[sflag:s10] =	ssyncset.done $0x0  }
0x145: {  	[sflag:s10] =	ssyncadd.s32 $0xFFFF8000  }
0x146: {  	[hbm4b:s15+s2] =	stream.linear.scatter [tilespmem:s9], [sflag:$0x2], $0x8000, $0x38;
	[tilespmem:$0x10000] =	vst v63  }
0x147: {  	_ = 	snop  }
0x148: {  	[hbm4b:s17+s2] =	stream.linear.scatter [tilespmem:s9], [sflag:$0x2], $0x8000, $0x38;
	[tilespmem:$0x10000] =	vst v63  }
0x149: {  	_ = 	snop  }
0x14a: {  	[hbm4b:s18+s2] =	stream.linear.scatter [tilespmem:s9], [sflag:$0x2], $0x8000, $0x38;
	[tilespmem:$0x10000] =	vst v63  }
0x14b: {  	_ = 	snop  }
0x14c: {  	[hbm4b:s19+s2] =	stream.linear.scatter [tilespmem:s9], [sflag:$0x2], $0x8000, $0x38;
	[tilespmem:$0x10000] =	vst v63  }
0x14d: {  	_ =	swait.ge [sflag:s3], $0x8000  }
0x14e: {  	[sflag:s3] =	ssyncset.done $0x0  }
0x14f: {  	[sflag:s3] =	ssyncadd.s32 $0xFFFF8000  }
0x150: {  	_ =	swait.ge [sflag:s3], $0x8000  }
0x151: {  	[sflag:s3] =	ssyncset.done $0x0  }
0x152: {  	[sflag:s3] =	ssyncadd.s32 $0xFFFF8000  }
0x153: {  	_ =	swait.ge [sflag:s3], $0x8000  }
0x154: {  	[sflag:s3] =	ssyncset.done $0x0  }
0x155: {  	[sflag:s3] =	ssyncadd.s32 $0xFFFF8000  }
0x156: {  	_ =	swait.ge [sflag:s3], $0x8000  }
0x157: {  	[sflag:s3] =	ssyncset.done $0x0  }
0x158: {  	[sflag:s3] =	ssyncadd.s32 $0xFFFF8000  }
0x159: {  	[tilespmem:s2], [sflag:$0x1] =	stream.linear.gather [hbm4b:s12+s2], $0x8000, $0x38;
	[tilespmem:$0x10000] =	vst v63  }
0x15a: {  	_ =	swait.ge [sflag:s10], $0x8000  }
0x15b: {  	[sflag:s10] =	ssyncset.done $0x0  }
0x15c: {  	[sflag:s10] =	ssyncadd.s32 $0xFFFF8000  }
0x15d: {  	[hbm4b:s6+s2] =	stream.linear.scatter [tilespmem:s2], [sflag:$0x2], $0x8000, $0x38;
	[tilespmem:$0x10000] =	vst v63  }
0x15e: {  	_ = 	snop  }
0x15f: {  	[hbm4b:s13+s2] =	stream.linear.scatter [tilespmem:s2], [sflag:$0x2], $0x8000, $0x38;
	[tilespmem:$0x10000] =	vst v63  }
0x160: {  	_ = 	snop  }
0x161: {  	[hbm4b:s14+s2] =	stream.linear.scatter [tilespmem:s2], [sflag:$0x2], $0x8000, $0x38;
	[tilespmem:$0x10000] =	vst v63  }
0x162: {  	_ = 	snop  }
0x163: {  	[hbm4b:s16+s2] =	stream.linear.scatter [tilespmem:s2], [sflag:$0x2], $0x8000, $0x38;
	[tilespmem:$0x10000] =	vst v63  }
0x164: {  	_ =	swait.ge [sflag:s3], $0x8000  }
0x165: {  	[sflag:s3] =	ssyncset.done $0x0  }
0x166: {  	[sflag:s3] =	ssyncadd.s32 $0xFFFF8000  }
0x167: {  	_ =	swait.ge [sflag:s3], $0x8000  }
0x168: {  	[sflag:s3] =	ssyncset.done $0x0  }
0x169: {  	[sflag:s3] =	ssyncadd.s32 $0xFFFF8000  }
0x16a: {  	_ =	swait.ge [sflag:s3], $0x8000  }
0x16b: {  	[sflag:s3] =	ssyncset.done $0x0  }
0x16c: {  	[sflag:s3] =	ssyncadd.s32 $0xFFFF8000  }
0x16d: {  	_ =	swait.ge [sflag:s3], $0x8000  }
0x16e: {  	[sflag:s3] =	ssyncset.done $0x0  }
0x16f: {  	[sflag:s3] =	ssyncadd.s32 $0xFFFF8000  }
0x170: {  	[tilespmem:s9], [sflag:$0x1] =	stream.linear.gather [hbm4b:s5+s2], $0x8000, $0x38;
	[tilespmem:$0x10000] =	vst v63  }
0x171: {  	_ =	swait.ge [sflag:s10], $0x8000  }
0x172: {  	[sflag:s10] =	ssyncset.done $0x0  }
0x173: {  	[sflag:s10] =	ssyncadd.s32 $0xFFFF8000  }
0x174: {  	[hbm4b:s0+s2] =	stream.linear.scatter [tilespmem:s9], [sflag:$0x2], $0x8000, $0x38;
	[tilespmem:$0x10000] =	vst v63  }
0x175: {  	_ = 	snop  }
0x176: {  	[hbm4b:s7+s2] =	stream.linear.scatter [tilespmem:s9], [sflag:$0x2], $0x8000, $0x38;
	[tilespmem:$0x10000] =	vst v63  }
0x177: {  	_ = 	snop  }
0x178: {  	[hbm4b:s8+s2] =	stream.linear.scatter [tilespmem:s9], [sflag:$0x2], $0x8000, $0x38;
	[tilespmem:$0x10000] =	vst v63  }
0x179: {  	_ = 	snop  }
0x17a: {  	[hbm4b:s11+s2] =	stream.linear.scatter [tilespmem:s9], [sflag:$0x2], $0x8000, $0x38;
	[tilespmem:$0x10000] =	vst v63  }
0x17b: {  	_ =	swait.ge [sflag:s3], $0x8000  }
0x17c: {  	[sflag:s3] =	ssyncset.done $0x0  }
0x17d: {  	[sflag:s3] =	ssyncadd.s32 $0xFFFF8000  }
0x17e: {  	_ =	swait.ge [sflag:s3], $0x8000  }
0x17f: {  	[sflag:s3] =	ssyncset.done $0x0  }
0x180: {  	[sflag:s3] =	ssyncadd.s32 $0xFFFF8000  }
0x181: {  	_ =	swait.ge [sflag:s3], $0x8000  }
0x182: {  	[sflag:s3] =	ssyncset.done $0x0  }
0x183: {  	[sflag:s3] =	ssyncadd.s32 $0xFFFF8000  }
0x184: {  	_ =	swait.ge [sflag:s3], $0x8000  }
0x185: {  	[sflag:s3] =	ssyncset.done $0x0  }
0x186: {  	[sflag:s3] =	ssyncadd.s32 $0xFFFF8000  }
0x187: {  	_ =	swait.ge [sflag:s3], $0x8000  }
0x188: {  	[sflag:s3] =	ssyncset.done $0x0  }
0x189: {  	[sflag:s3] =	ssyncadd.s32 $0xFFFF8000  }
0x18a: {  	_ =	swait.ge [sflag:s3], $0x8000  }
0x18b: {  	p1 =	sne.s32 s31, $0x1;
	s31 =	sadd.s32 $0xFFFFFFFF, s31;
	[sflag:s3] =	ssyncset.done $0x0  }
0x18c: {  	s15 =	smov.u32 s12;
	s17 =	smov.u32 s13;
	[sflag:s3] =	ssyncadd.s32 $0xFFFF8000  }
.Ltmp2:
0x18d: {  	s18 =	smov.u32 s7;
	_ =	swait.ge [sflag:s3], $0x8000;
	(pc) =	sbr.rel @p1 .LBB2_2-.Ltmp2, $4  }
0x18e: {  	s12 =	smov.u32 s6;
	s6 =	smov.u32 s5;
	[sflag:s3] =	ssyncset.done $0x0  }
0x18f: {  	s13 =	smov.u32 s14;
	s14 =	smov.u32 s16;
	[sflag:s3] =	ssyncadd.s32 $0xFFFF8000  }
0x190: {  	s5 =	smov.u32 s0;
	s7 =	smov.u32 s8;
	_ =	swait.ge [sflag:s3], $0x8000  }
0x191: {  	s8 =	smov.u32 s11;
	s1 =	rddreg [dreg:$0x3];
	[sflag:s3] =	ssyncset.done $0x0  }
.LBB2_3:
0x192: {  	[sflag:s3] =	ssyncadd.s32 @p0 $0xFFFF8000  }
0x193: {  	[tilespmem:s2], [sflag:$0x1] =	stream.linear.gather [hbm4b:s1+s2], $0x8000, $0x38;
	[tilespmem:$0x10000] =	vst v63  }
0x194: {  	_ =	swait.ge [sflag:s10], $0x8000  }
0x195: {  	[sflag:s10] =	ssyncset.done $0x0  }
0x196: {  	[sflag:s10] =	ssyncadd.s32 $0xFFFF8000  }
0x197: {  	[hbm4b:s4+s2] =	stream.linear.scatter [tilespmem:s2], [sflag:$0x2], $0x8000, $0x38;
	[tilespmem:$0x10000] =	vst v63  }
0x198: {  	s0 =	rddreg [dreg:$0x4]  }
0x199: {  	[hbm4b:s0+s2] =	stream.linear.scatter [tilespmem:s2], [sflag:$0x2], $0x8000, $0x38;
	[tilespmem:$0x10000] =	vst v63  }
0x19a: {  	s16 =	rddreg [dreg:$0x5]  }
0x19b: {  	[hbm4b:s16+s2] =	stream.linear.scatter [tilespmem:s2], [sflag:$0x2], $0x8000, $0x38;
	[tilespmem:$0x10000] =	vst v63  }
0x19c: {  	s31 =	rddreg [dreg:$0x6]  }
0x19d: {  	[hbm4b:s31+s2] =	stream.linear.scatter [tilespmem:s2], [sflag:$0x2], $0x8000, $0x38;
	[tilespmem:$0x10000] =	vst v63  }
0x19e: {  	s4 =	rddreg [dreg:$0x7]  }
0x19f: {  	[tilespmem:s9], [sflag:$0x1] =	stream.linear.gather [hbm4b:s4+s2], $0x8000, $0x38;
	[tilespmem:$0x10000] =	vst v63  }
0x1a0: {  	_ =	swait.ge [sflag:s10], $0x8000  }
0x1a1: {  	[sflag:s10] =	ssyncset.done $0x0  }
0x1a2: {  	s11 =	rddreg [dreg:$0x8];
	[sflag:s10] =	ssyncadd.s32 $0xFFFF8000  }
0x1a3: {  	[hbm4b:s11+s2] =	stream.linear.scatter [tilespmem:s9], [sflag:$0x2], $0x8000, $0x38;
	[tilespmem:$0x10000] =	vst v63  }
0x1a4: {  	s16 =	rddreg [dreg:$0x9]  }
0x1a5: {  	[hbm4b:s16+s2] =	stream.linear.scatter [tilespmem:s9], [sflag:$0x2], $0x8000, $0x38;
	[tilespmem:$0x10000] =	vst v63  }
0x1a6: {  	s31 =	rddreg [dreg:$0xa]  }
0x1a7: {  	[hbm4b:s31+s2] =	stream.linear.scatter [tilespmem:s9], [sflag:$0x2], $0x8000, $0x38;
	[tilespmem:$0x10000] =	vst v63  }
0x1a8: {  	s4 =	rddreg [dreg:$0xb]  }
0x1a9: {  	[hbm4b:s4+s2] =	stream.linear.scatter [tilespmem:s9], [sflag:$0x2], $0x8000, $0x38;
	[tilespmem:$0x10000] =	vst v63  }
0x1aa: {  	_ =	swait.ge [sflag:s3], $0x8000  }
0x1ab: {  	[sflag:s3] =	ssyncset.done $0x0  }
0x1ac: {  	[sflag:s3] =	ssyncadd.s32 $0xFFFF8000  }
0x1ad: {  	_ =	swait.ge [sflag:s3], $0x8000  }
0x1ae: {  	[sflag:s3] =	ssyncset.done $0x0  }
0x1af: {  	[sflag:s3] =	ssyncadd.s32 $0xFFFF8000  }
0x1b0: {  	_ =	swait.ge [sflag:s3], $0x8000  }
0x1b1: {  	[sflag:s3] =	ssyncset.done $0x0  }
0x1b2: {  	[sflag:s3] =	ssyncadd.s32 $0xFFFF8000  }
0x1b3: {  	_ =	swait.ge [sflag:s3], $0x8000  }
0x1b4: {  	[sflag:s3] =	ssyncset.done $0x0  }
0x1b5: {  	s11 =	rddreg [dreg:$0xc];
	[sflag:s3] =	ssyncadd.s32 $0xFFFF8000  }
0x1b6: {  	[tilespmem:s2], [sflag:$0x1] =	stream.linear.gather [hbm4b:s11+s2], $0x8000, $0x38;
	[tilespmem:$0x10000] =	vst v63  }
0x1b7: {  	_ =	swait.ge [sflag:s10], $0x8000  }
0x1b8: {  	[sflag:s10] =	ssyncset.done $0x0  }
0x1b9: {  	s16 =	rddreg [dreg:$0xd];
	[sflag:s10] =	ssyncadd.s32 $0xFFFF8000  }
0x1ba: {  	[hbm4b:s16+s2] =	stream.linear.scatter [tilespmem:s2], [sflag:$0x2], $0x8000, $0x38;
	[tilespmem:$0x10000] =	vst v63  }
0x1bb: {  	s31 =	rddreg [dreg:$0xe]  }
0x1bc: {  	[hbm4b:s31+s2] =	stream.linear.scatter [tilespmem:s2], [sflag:$0x2], $0x8000, $0x38;
	[tilespmem:$0x10000] =	vst v63  }
0x1bd: {  	s4 =	rddreg [dreg:$0xf]  }
0x1be: {  	[hbm4b:s4+s2] =	stream.linear.scatter [tilespmem:s2], [sflag:$0x2], $0x8000, $0x38;
	[tilespmem:$0x10000] =	vst v63  }
0x1bf: {  	s11 =	rddreg [dreg:$0x10]  }
0x1c0: {  	[hbm4b:s11+s2] =	stream.linear.scatter [tilespmem:s2], [sflag:$0x2], $0x8000, $0x38;
	[tilespmem:$0x10000] =	vst v63  }
0x1c1: {  	_ =	swait.ge [sflag:s3], $0x8000  }
0x1c2: {  	[sflag:s3] =	ssyncset.done $0x0  }
0x1c3: {  	[sflag:s3] =	ssyncadd.s32 $0xFFFF8000  }
0x1c4: {  	_ =	swait.ge [sflag:s3], $0x8000  }
0x1c5: {  	[sflag:s3] =	ssyncset.done $0x0  }
0x1c6: {  	[sflag:s3] =	ssyncadd.s32 $0xFFFF8000  }
0x1c7: {  	_ =	swait.ge [sflag:s3], $0x8000  }
0x1c8: {  	[sflag:s3] =	ssyncset.done $0x0  }
0x1c9: {  	[sflag:s3] =	ssyncadd.s32 $0xFFFF8000  }
0x1ca: {  	_ =	swait.ge [sflag:s3], $0x8000  }
0x1cb: {  	[sflag:s3] =	ssyncset.done $0x0  }
0x1cc: {  	s16 =	rddreg [dreg:$0x11];
	[sflag:s3] =	ssyncadd.s32 $0xFFFF8000  }
0x1cd: {  	[tilespmem:s9], [sflag:$0x1] =	stream.linear.gather [hbm4b:s16+s2], $0x8000, $0x38;
	[tilespmem:$0x10000] =	vst v63  }
0x1ce: {  	_ =	swait.ge [sflag:s10], $0x8000  }
0x1cf: {  	[sflag:s10] =	ssyncset.done $0x0  }
0x1d0: {  	[sflag:s10] =	ssyncadd.s32 $0xFFFF8000  }
0x1d1: {  	[hbm4b:s26+s2] =	stream.linear.scatter [tilespmem:s9], [sflag:$0x2], $0x8000, $0x38;
	[tilespmem:$0x10000] =	vst v63  }
0x1d2: {  	_ = 	snop  }
0x1d3: {  	[hbm4b:s28+s2] =	stream.linear.scatter [tilespmem:s9], [sflag:$0x2], $0x8000, $0x38;
	[tilespmem:$0x10000] =	vst v63  }
0x1d4: {  	_ = 	snop  }
0x1d5: {  	[hbm4b:s29+s2] =	stream.linear.scatter [tilespmem:s9], [sflag:$0x2], $0x8000, $0x38;
	[tilespmem:$0x10000] =	vst v63  }
0x1d6: {  	_ = 	snop  }
0x1d7: {  	[hbm4b:s30+s2] =	stream.linear.scatter [tilespmem:s9], [sflag:$0x2], $0x8000, $0x38;
	[tilespmem:$0x10000] =	vst v63  }
0x1d8: {  	_ =	swait.ge [sflag:s3], $0x8000  }
0x1d9: {  	[sflag:s3] =	ssyncset.done $0x0  }
0x1da: {  	[sflag:s3] =	ssyncadd.s32 $0xFFFF8000  }
0x1db: {  	_ =	swait.ge [sflag:s3], $0x8000  }
0x1dc: {  	[sflag:s3] =	ssyncset.done $0x0  }
0x1dd: {  	[sflag:s3] =	ssyncadd.s32 $0xFFFF8000  }
0x1de: {  	_ =	swait.ge [sflag:s3], $0x8000  }
0x1df: {  	[sflag:s3] =	ssyncset.done $0x0  }
0x1e0: {  	[sflag:s3] =	ssyncadd.s32 $0xFFFF8000  }
0x1e1: {  	_ =	swait.ge [sflag:s3], $0x8000  }
0x1e2: {  	[sflag:s3] =	ssyncset.done $0x0  }
0x1e3: {  	[sflag:s3] =	ssyncadd.s32 $0xFFFF8000  }
0x1e4: {  	[tilespmem:s2], [sflag:$0x1] =	stream.linear.gather [hbm4b:s25+s2], $0x8000, $0x38;
	[tilespmem:$0x10000] =	vst v63  }
0x1e5: {  	_ =	swait.ge [sflag:s10], $0x8000  }
0x1e6: {  	[sflag:s10] =	ssyncset.done $0x0  }
0x1e7: {  	[sflag:s10] =	ssyncadd.s32 $0xFFFF8000  }
0x1e8: {  	[hbm4b:s21+s2] =	stream.linear.scatter [tilespmem:s2], [sflag:$0x2], $0x8000, $0x38;
	[tilespmem:$0x10000] =	vst v63  }
0x1e9: {  	_ = 	snop  }
0x1ea: {  	[hbm4b:s22+s2] =	stream.linear.scatter [tilespmem:s2], [sflag:$0x2], $0x8000, $0x38;
	[tilespmem:$0x10000] =	vst v63  }
0x1eb: {  	_ = 	snop  }
0x1ec: {  	[hbm4b:s23+s2] =	stream.linear.scatter [tilespmem:s2], [sflag:$0x2], $0x8000, $0x38;
	[tilespmem:$0x10000] =	vst v63  }
0x1ed: {  	_ = 	snop  }
0x1ee: {  	[hbm4b:s24+s2] =	stream.linear.scatter [tilespmem:s2], [sflag:$0x2], $0x8000, $0x38;
	[tilespmem:$0x10000] =	vst v63  }
0x1ef: {  	_ =	swait.ge [sflag:s3], $0x8000  }
0x1f0: {  	[sflag:s3] =	ssyncset.done $0x0  }
0x1f1: {  	[sflag:s3] =	ssyncadd.s32 $0xFFFF8000  }
0x1f2: {  	_ =	swait.ge [sflag:s3], $0x8000  }
0x1f3: {  	[sflag:s3] =	ssyncset.done $0x0  }
0x1f4: {  	[sflag:s3] =	ssyncadd.s32 $0xFFFF8000  }
0x1f5: {  	_ =	swait.ge [sflag:s3], $0x8000  }
0x1f6: {  	[sflag:s3] =	ssyncset.done $0x0  }
0x1f7: {  	[sflag:s3] =	ssyncadd.s32 $0xFFFF8000  }
0x1f8: {  	_ =	swait.ge [sflag:s3], $0x8000  }
0x1f9: {  	[sflag:s3] =	ssyncset.done $0x0  }
0x1fa: {  	[sflag:s3] =	ssyncadd.s32 $0xFFFF8000  }
0x1fb: {  	[tilespmem:s9], [sflag:$0x1] =	stream.linear.gather [hbm4b:s20+s2], $0x8000, $0x38;
	[tilespmem:$0x10000] =	vst v63  }
0x1fc: {  	_ =	swait.ge [sflag:s10], $0x8000  }
0x1fd: {  	[sflag:s10] =	ssyncset.done $0x0  }
0x1fe: {  	s28 =	rddreg [dreg:$0x13];
	[sflag:s10] =	ssyncadd.s32 $0xFFFF8000  }
0x1ff: {  	[hbm4b:s28+s2] =	stream.linear.scatter [tilespmem:s9], [sflag:$0x2], $0x8000, $0x38;
	[tilespmem:$0x10000] =	vst v63  }
0x200: {  	s29 =	rddreg [dreg:$0x14]  }
0x201: {  	[hbm4b:s29+s2] =	stream.linear.scatter [tilespmem:s9], [sflag:$0x2], $0x8000, $0x38;
	[tilespmem:$0x10000] =	vst v63  }
0x202: {  	s30 =	rddreg [dreg:$0x15]  }
0x203: {  	[hbm4b:s30+s2] =	stream.linear.scatter [tilespmem:s9], [sflag:$0x2], $0x8000, $0x38;
	[tilespmem:$0x10000] =	vst v63  }
0x204: {  	_ = 	snop  }
0x205: {  	[hbm4b:s19+s2] =	stream.linear.scatter [tilespmem:s9], [sflag:$0x2], $0x8000, $0x38;
	[tilespmem:$0x10000] =	vst v63  }
0x206: {  	_ =	swait.ge [sflag:s3], $0x8000  }
0x207: {  	[sflag:s3] =	ssyncset.done $0x0  }
0x208: {  	[sflag:s3] =	ssyncadd.s32 $0xFFFF8000  }
0x209: {  	_ =	swait.ge [sflag:s3], $0x8000  }
0x20a: {  	[sflag:s3] =	ssyncset.done $0x0  }
0x20b: {  	[sflag:s3] =	ssyncadd.s32 $0xFFFF8000  }
0x20c: {  	_ =	swait.ge [sflag:s3], $0x8000  }
0x20d: {  	[sflag:s3] =	ssyncset.done $0x0  }
0x20e: {  	[sflag:s3] =	ssyncadd.s32 $0xFFFF8000  }
0x20f: {  	_ =	swait.ge [sflag:s3], $0x8000  }
0x210: {  	[sflag:s3] =	ssyncset.done $0x0  }
0x211: {  	[sflag:s3] =	ssyncadd.s32 $0xFFFF8000  }
0x212: {  	[tilespmem:s2], [sflag:$0x1] =	stream.linear.gather [hbm4b:s15+s2], $0x8000, $0x38;
	[tilespmem:$0x10000] =	vst v63  }
0x213: {  	_ =	swait.ge [sflag:s10], $0x8000  }
0x214: {  	[sflag:s10] =	ssyncset.done $0x0  }
0x215: {  	[sflag:s10] =	ssyncadd.s32 $0xFFFF8000  }
0x216: {  	[hbm4b:s12+s2] =	stream.linear.scatter [tilespmem:s2], [sflag:$0x2], $0x8000, $0x38;
	[tilespmem:$0x10000] =	vst v63  }
0x217: {  	_ = 	snop  }
0x218: {  	[hbm4b:s17+s2] =	stream.linear.scatter [tilespmem:s2], [sflag:$0x2], $0x8000, $0x38;
	[tilespmem:$0x10000] =	vst v63  }
0x219: {  	_ = 	snop  }
0x21a: {  	[hbm4b:s13+s2] =	stream.linear.scatter [tilespmem:s2], [sflag:$0x2], $0x8000, $0x38;
	[tilespmem:$0x10000] =	vst v63  }
0x21b: {  	_ = 	snop  }
0x21c: {  	[hbm4b:s14+s2] =	stream.linear.scatter [tilespmem:s2], [sflag:$0x2], $0x8000, $0x38;
	[tilespmem:$0x10000] =	vst v63  }
0x21d: {  	_ =	swait.ge [sflag:s3], $0x8000  }
0x21e: {  	[sflag:s3] =	ssyncset.done $0x0  }
0x21f: {  	[sflag:s3] =	ssyncadd.s32 $0xFFFF8000  }
0x220: {  	_ =	swait.ge [sflag:s3], $0x8000  }
0x221: {  	[sflag:s3] =	ssyncset.done $0x0  }
0x222: {  	[sflag:s3] =	ssyncadd.s32 $0xFFFF8000  }
0x223: {  	_ =	swait.ge [sflag:s3], $0x8000  }
0x224: {  	[sflag:s3] =	ssyncset.done $0x0  }
0x225: {  	[sflag:s3] =	ssyncadd.s32 $0xFFFF8000  }
0x226: {  	_ =	swait.ge [sflag:s3], $0x8000  }
0x227: {  	[sflag:s3] =	ssyncset.done $0x0  }
0x228: {  	[sflag:s3] =	ssyncadd.s32 $0xFFFF8000  }
0x229: {  	[tilespmem:s9], [sflag:$0x1] =	stream.linear.gather [hbm4b:s6+s2], $0x8000, $0x38;
	[tilespmem:$0x10000] =	vst v63  }
0x22a: {  	_ =	swait.ge [sflag:s10], $0x8000  }
0x22b: {  	[sflag:s10] =	ssyncset.done $0x0  }
0x22c: {  	[sflag:s10] =	ssyncadd.s32 $0xFFFF8000  }
0x22d: {  	[hbm4b:s5+s2] =	stream.linear.scatter [tilespmem:s9], [sflag:$0x2], $0x8000, $0x38;
	[tilespmem:$0x10000] =	vst v63  }
0x22e: {  	_ = 	snop  }
0x22f: {  	[hbm4b:s18+s2] =	stream.linear.scatter [tilespmem:s9], [sflag:$0x2], $0x8000, $0x38;
	[tilespmem:$0x10000] =	vst v63  }
0x230: {  	_ = 	snop  }
0x231: {  	[hbm4b:s7+s2] =	stream.linear.scatter [tilespmem:s9], [sflag:$0x2], $0x8000, $0x38;
	[tilespmem:$0x10000] =	vst v63  }
0x232: {  	_ = 	snop  }
0x233: {  	[hbm4b:s8+s2] =	stream.linear.scatter [tilespmem:s9], [sflag:$0x2], $0x8000, $0x38;
	[tilespmem:$0x10000] =	vst v63  }
0x234: {  	_ =	swait.ge [sflag:s3], $0x8000  }
0x235: {  	[sflag:s3] =	ssyncset.done $0x0  }
0x236: {  	[sflag:s3] =	ssyncadd.s32 $0xFFFF8000  }
0x237: {  	_ =	swait.ge [sflag:s3], $0x8000  }
0x238: {  	[sflag:s3] =	ssyncset.done $0x0  }
0x239: {  	[sflag:s3] =	ssyncadd.s32 $0xFFFF8000  }
0x23a: {  	_ =	swait.ge [sflag:s3], $0x8000  }
0x23b: {  	[sflag:s3] =	ssyncset.done $0x0  }
0x23c: {  	[sflag:s3] =	ssyncadd.s32 $0xFFFF8000  }
0x23d: {  	_ =	swait.ge [sflag:s3], $0x8000  }
0x23e: {  	[sflag:s3] =	ssyncset.done $0x0  }
0x23f: {  	[sflag:s3] =	ssyncadd.s32 $0xFFFF8000  }
0x240: {  	_ =	swait.ge [sflag:s3], $0x8000  }
0x241: {  	[sflag:s3] =	ssyncset.done $0x0  }
0x242: {  	[sflag:s3] =	ssyncadd.s32 $0xFFFF8000  }
0x243: {  	_ =	swait.ge [sflag:s3], $0x8000  }
0x244: {  	[sflag:s3] =	ssyncset.done $0x0  }
0x245: {  	[sflag:s3] =	ssyncadd.s32 $0xFFFF8000  }
0x246: {  	_ =	swait.ge [sflag:s3], $0x8000  }
0x247: {  	[sflag:s3] =	ssyncset.done $0x0  }
0x248: {  	[sflag:s3] =	ssyncadd.s32 $0xFFFF8000  }
0x249: {  	_ =	swait.ge [sflag:s3], $0x8000  }
0x24a: {  	[sflag:s3] =	ssyncset.done $0x0  }
0x24b: {  	[sflag:s3] =	ssyncadd.s32 $0xFFFF8000  }
0x24c: {  	_ =	sfence.sel $0x180000  }
0x24d: {  	[bflag:$0x0] =	sbarrier.arrive $0xFFFF  }
0x24e: {  	_ =	strace $0x90000047  }
0x24f: {  	s31 =	stileid.u32;
	[bflag:$0x2] =	sbarrier.arrive $0xFFFF  }
0x250: {  	p0 =	sne.s32 s31, $0x0;
	s0 =	rddreg [dreg:$0x2]  }
0x251: {  	s0 =	sadd.s32 @!p0 $0x100000, s0  }
0x252: {  	[sflag:s0] =	ssyncadd.tile.s32 @!p0 $0x1;
	_ =	shalt  }
.Lfunc_end2:
_tile_overlayer_lowered:
.L_overlay_start_2:
0x253: {  	(tag) =	ssettag $0x2  }
0x254: {  	s0 =	rddreg [dreg:$0x0];
	s2 =	stileid.u32  }
0x255: {  	s1 =	rddreg [dreg:$0x1];
	p0 =	sne.s32 s2, $0x0  }
0x256: {  	s3 =	rddreg [dreg:$0x2];
	[bflag:$0x3] =	sbarrier.arrive $0xFFFF;
	s2 =	simm.s32 @!p0 $0x1C03  }
0x257: {  	[timem:s3], [sflag:s2] =	dma.local @!p0 [hbm:s0], s1  }
0x258: {  	s0 =	simm.s32 @!p0 $0x3  }
0x259: {  	_ =	swait.ge @!p0 [sflag:s0], s1  }
0x25a: {  	s1 =	ssub.s32 @!p0 $0x0, s1;
	[sflag:s0] =	ssyncset.done @!p0 $0x0  }
0x25b: {  	[sflag:s0] =	ssyncadd.s32 @!p0 s1  }
0x25c: {  	[bflag:$0x3] =	sbarrier.arrive $0xFFFF  }
0x25d: {  	_ =	shalt  }

</sc_bundles>
